<compile_context>
chip_gen: v7x
topology: tpu7x:2x2x1
jax: 0.10.2.dev20260603
libtpu: 0.0.44.dev20260713+nightly
codegen_flags: <defaults>
</compile_context>

<pallas_src>
import functools

import jax
import jax.numpy as jnp
from jax.experimental import pallas as pl
from jax.experimental.pallas import tpu as pltpu
from jax.experimental.pallas import tpu_sc as plsc

_NUM_BINS = 6
_M = 8192
_HALF = _M // 2
_CH = 8192


def _waterfill(total, bin_prob, max_num_points):
    Bv, num_bins = bin_prob.shape
    bp = bin_prob * max_num_points + 1e-10
    chosen = jnp.zeros_like(bp)
    for _ in range(num_bins):
        bp = bp / jnp.sum(bp, axis=1, keepdims=True)
        num_to_choose = total - jnp.sum(chosen, axis=1, keepdims=True)
        chosen = chosen + bp * num_to_choose
        chosen = jnp.where(chosen >= max_num_points, max_num_points, chosen)
        bp = bp * jnp.where(chosen >= max_num_points, 0.0, 1.0)
    chosen = chosen.astype(jnp.int32)
    deficit = total - jnp.sum(chosen, axis=1)
    arg = jnp.argmax(max_num_points.astype(jnp.int32) - chosen, axis=1)
    chosen = chosen.at[jnp.arange(Bv), arg].add(deficit.astype(chosen.dtype))
    return chosen


def _desc_key(s):
    b = jax.lax.bitcast_convert_type(s, jnp.int32)
    u = jnp.where(b < 0, ~b, b ^ jnp.int32(-2147483648)).astype(jnp.uint32)
    return ~u


def _build_rows(s, k_choose, bvals, Mv):
    Bv, Nv = s.shape
    binid = jnp.sum(s[:, :, None] < bvals[None, None, :], axis=2).astype(jnp.int32)
    onehot = binid[:, :, None] == jnp.arange(_NUM_BINS)[None, None, :]
    counts = jnp.sum(onehot, axis=1).astype(jnp.int32)
    q = s + jnp.float32(1e-08)
    offsets = jnp.cumsum(k_choose, axis=1) - k_choose
    Cj = jnp.cumsum(counts, axis=1) - counts
    iota = jnp.broadcast_to(jnp.arange(Nv, dtype=jnp.int32)[None, :], (Bv, Nv))
    keys_sorted, srt = jax.lax.sort((_desc_key(s), iota), dimension=1,
                                    is_stable=True, num_keys=1)
    u = ~keys_sorted
    hi = (u & jnp.uint32(0x80000000)) != 0
    sb = jnp.where(hi, u ^ jnp.uint32(0x80000000), ~u)
    s_sorted = jax.lax.bitcast_convert_type(sb, jnp.float32)
    q_sorted = s_sorted + jnp.float32(1e-08)
    bin_sorted = jnp.sum(
        s_sorted[:, :, None] < bvals[None, None, :], axis=2).astype(jnp.int32)

    P = jnp.sum(onehot & (q > 0)[:, :, None], axis=1).astype(jnp.int32)
    Z = jnp.sum(onehot & (q == 0)[:, :, None], axis=1).astype(jnp.int32)
    G23 = (Nv - counts) + Z
    t = jnp.minimum(k_choose, P)
    r2 = jnp.maximum(k_choose - t, 0)
    c23 = jnp.minimum(r2, G23)
    r4 = jnp.maximum(r2 - G23, 0)

    def takej(a, jj):
        r = jnp.zeros(jj.shape, a.dtype)
        for j in range(_NUM_BINS):
            r = jnp.where(jj == j, a[:, j, None], r)
        return r

    pos = jnp.arange(Nv, dtype=jnp.int32)[None, :]
    jj = bin_sorted
    w = pos - takej(Cj, jj)
    sel1 = (q_sorted > 0) & (w < takej(t, jj))
    dest1 = takej(offsets, jj) + w
    g4pos = w - takej(P, jj) - takej(Z, jj)
    sel4 = (q_sorted < 0) & (g4pos >= 0) & (g4pos < takej(r4, jj))
    dest4 = takej(offsets, jj) + takej(t, jj) + takej(c23, jj) + g4pos
    destA = jnp.where(sel1, dest1, jnp.where(sel4, dest4, Mv))

    ind23 = (binid[None, :, :] != jnp.arange(_NUM_BINS)[:, None, None]) | \
        (q == 0)[None, :, :]
    c = ind23.astype(jnp.int32)
    k = 1
    while k < Nv:
        c = c + jnp.concatenate(
            [jnp.zeros_like(c[..., :k]), c[..., :-k]], axis=-1)
        k *= 2
    pos23 = c - ind23.astype(jnp.int32)
    sel2 = ind23 & (pos23 < r2.T[:, :, None])
    dest2 = offsets.T[:, :, None] + t.T[:, :, None] + pos23
    destB = jnp.where(sel2, dest2, Mv)
    return _sc_scatter_rows(destA, srt, destB)


def _sc_rows_body(destA_hbm, srtv_hbm, destB_hbm, rows_hbm, dbuf, vbuf, rbuf):
    cid = jax.lax.axis_index("c")
    sid = jax.lax.axis_index("s")
    w = sid * 2 + cid
    b = w // 2
    hbase = (w % 2) * _HALF
    nv = _CH // 16

    zero = jnp.zeros((16,), jnp.int32)

    def zinit(i, _):
        rbuf[pl.ds(i * 16, 16)] = zero
        return 0

    jax.lax.fori_loop(0, _HALF // 16, zinit, 0)

    lane = jax.lax.iota(jnp.int32, 16)
    nchunks = destA_hbm.shape[1] // _CH

    def scatter_vec(d, v):
        m = (d >= 0) & (d < _HALF)
        dc = jnp.clip(d, 0, _HALF - 1)
        plsc.store_scatter(rbuf, [dc], v, mask=m)

    def passA(c, _):
        pltpu.sync_copy(destA_hbm.at[b, pl.ds(c * _CH, _CH)], dbuf)
        pltpu.sync_copy(srtv_hbm.at[b, pl.ds(c * _CH, _CH)], vbuf)

        def inner(i, _):
            scatter_vec(dbuf[pl.ds(i * 16, 16)] - hbase,
                        vbuf[pl.ds(i * 16, 16)])
            return 0

        jax.lax.fori_loop(0, nv, inner, 0)
        return 0

    jax.lax.fori_loop(0, nchunks, passA, 0)

    for j in range(_NUM_BINS):
        def passB(c, _, j=j):
            pltpu.sync_copy(destB_hbm.at[j, b, pl.ds(c * _CH, _CH)], dbuf)

            def inner(i, _):
                v = c * _CH + i * 16 + lane
                scatter_vec(dbuf[pl.ds(i * 16, 16)] - hbase, v)
                return 0

            jax.lax.fori_loop(0, nv, inner, 0)
            return 0

        jax.lax.fori_loop(0, nchunks, passB, 0)

    pltpu.sync_copy(rbuf, rows_hbm.at[b, pl.ds(hbase, _HALF)])


def _sc_scatter_rows(destA, srtv, destB):
    Bv = destA.shape[0]
    mesh = plsc.VectorSubcoreMesh(core_axis_name="c", subcore_axis_name="s")
    f = functools.partial(
        pl.kernel,
        out_type=jax.ShapeDtypeStruct((Bv, _M), jnp.int32),
        mesh=mesh,
        scratch_types=[
            pltpu.VMEM((_CH,), jnp.int32),
            pltpu.VMEM((_CH,), jnp.int32),
            pltpu.VMEM((_HALF,), jnp.int32),
        ],
        compiler_params=pltpu.CompilerParams(needs_layout_passes=False),
    )(_sc_rows_body)
    return f(destA, srtv, destB)


def _mm_body(wv_ref, xd_ref, o_ref):
    o_ref[0] = jax.lax.dot(
        wv_ref[...], xd_ref[0], preferred_element_type=jnp.float32)


def _project(Wv, x_down):
    Bv, Cv, Mv = x_down.shape
    BM = 2048
    return pl.pallas_call(
        _mm_body,
        grid=(Bv, Mv // BM),
        in_specs=[
            pl.BlockSpec((Cv, Cv), lambda b, m: (0, 0)),
            pl.BlockSpec((1, Cv, BM), lambda b, m: (b, 0, m)),
        ],
        out_specs=pl.BlockSpec((1, Cv, BM), lambda b, m: (b, 0, m)),
        out_shape=jax.ShapeDtypeStruct((Bv, Cv, Mv), jnp.float32),
    )(Wv, x_down)


def kernel(x, w_score, bin_prob_logits, Wv):
    Bv, Cv, Nv = x.shape
    score = jnp.einsum('bcn,c->bn', x, w_score)[:, None, :]
    s4 = (score - jnp.mean(score, axis=2, keepdims=True)) / jnp.std(
        score, axis=2, keepdims=True) + 1e-08
    s = s4.reshape(Bv, Nv)
    n = Bv * Nv
    bidx = (jnp.arange(1, _NUM_BINS) / _NUM_BINS * n).astype(jnp.int32)
    sorted_scores = jnp.sort(s.reshape(-1))[::-1]
    bvals = sorted_scores[bidx]
    binid = jnp.sum(s[:, :, None] < bvals[None, None, :], axis=2)
    counts = jnp.sum(binid[:, :, None] == jnp.arange(_NUM_BINS)[None, None, :],
                     axis=1)
    bin_prob = jnp.broadcast_to(jax.nn.softmax(bin_prob_logits)[None, :],
                                (Bv, _NUM_BINS))
    k_choose = _waterfill(_M, bin_prob, counts.astype(jnp.float32))
    rows = _build_rows(s, k_choose, bvals, _M)
    index_down = rows.reshape(Bv, 1, _M)
    idx = jnp.broadcast_to(index_down, (Bv, Cv, _M))
    x_down = jnp.take_along_axis(x, idx, axis=2)
    out = _project(Wv, x_down)
    return out, index_down

# --- scband reference (transcript-rebuilt; emitter-appended) ---
"""Pipeline reference for scband-set-abstraction-59966333387153 (READ-ONLY COPY).

The authoritative reference and input builder live on the scoring server;
editing this copy changes nothing except your own understanding.
"""

import jax, jax.numpy as jnp
import numpy as np

B, C, N = 16, 128, 32768
M = 8192
NUM_BINS = 6


def setup_inputs(seed: int = 0) -> dict:
    key = jax.random.key(seed)
    k1, k2, k3, k4 = jax.random.split(key, 4)
    x = jax.random.normal(k1, (B, C, N), dtype=jnp.float32)
    w_score = jax.random.normal(k2, (C,), dtype=jnp.float32) * 0.02
    bin_prob_logits = jax.random.normal(k3, (NUM_BINS,), dtype=jnp.float32) * 0.1
    Wv = jax.random.normal(k4, (C, C), dtype=jnp.float32) * (1.0 / np.sqrt(C))
    return {"x": x, "w_score": w_score, "bin_prob_logits": bin_prob_logits, "Wv": Wv}


def _make_bin_boundaries(score, num_bins):
    # score: (B, 1, N, 1) standardized attention point score; mirrors
    # update_sampling_score_bin_boundary with old_bin_boundaries=None.
    n = score.size
    bidx = (jnp.arange(1, num_bins) / num_bins * n).astype(jnp.int32)
    sorted_scores = jnp.sort(score.reshape(-1))[::-1]  # descending
    b = sorted_scores[bidx]
    upper = jnp.concatenate([jnp.array([jnp.inf], dtype=b.dtype), b]).reshape(1, 1, 1, num_bins)
    lower = jnp.concatenate([b, jnp.array([-jnp.inf], dtype=b.dtype)]).reshape(1, 1, 1, num_bins)
    return upper, lower


def _calculate_num_points_to_choose(total, bin_prob, max_num_points):
    # bin_prob: (B, num_bins); max_num_points: (B, num_bins) float
    Bv, num_bins = bin_prob.shape
    bp = bin_prob * max_num_points + 1e-10
    chosen = jnp.zeros_like(bp)
    for _ in range(num_bins):
        bp = bp / jnp.sum(bp, axis=1, keepdims=True)
        num_to_choose = total - jnp.sum(chosen, axis=1, keepdims=True)
        chosen = chosen + bp * num_to_choose
        chosen = jnp.where(chosen >= max_num_points, max_num_points, chosen)
        bp = bp * jnp.where(chosen >= max_num_points, 0.0, 1.0)
    chosen = chosen.astype(jnp.int32)
    deficit = total - jnp.sum(chosen, axis=1)
    arg = jnp.argmax(max_num_points.astype(jnp.int32) - chosen, axis=1)
    chosen = chosen.at[jnp.arange(Bv), arg].add(deficit.astype(chosen.dtype))
    return chosen


def _downsample_indices(x, w_score, bin_prob_logits):
    # attention point score per point (H=1 scoring head)
    score = jnp.einsum('bcn,c->bn', x, w_score)[:, None, :]  # (B, 1, N)
    Bv, H, Nn = score.shape
    s = (score - jnp.mean(score, axis=2, keepdims=True)) / jnp.std(score, axis=2, keepdims=True) + 1e-08
    s = s.reshape(Bv, H, Nn, 1)
    upper, lower = _make_bin_boundaries(s, NUM_BINS)
    bin_points_mask = (s < upper) & (s >= lower)  # (B, 1, N, num_bins)
    max_num_points = jnp.sum(bin_points_mask, axis=(1, 2)).astype(jnp.float32)  # (B, num_bins)
    bin_prob = jnp.broadcast_to(jax.nn.softmax(bin_prob_logits)[None, :], (Bv, NUM_BINS))
    k_choose = _calculate_num_points_to_choose(M, bin_prob, max_num_points)  # (B, num_bins) int
    # topk mode of generating_downsampled_index
    masked = (s + 1e-08) * bin_points_mask  # (B, 1, N, num_bins)
    order = jnp.argsort(-masked, axis=2)[:, 0, :, :]  # (B, N, num_bins) descending
    offsets = jnp.cumsum(k_choose, axis=1) - k_choose  # (B, num_bins) exclusive cumsum
    rank = jnp.arange(Nn)[None, :, None]  # (1, N, 1)
    valid = rank < k_choose[:, None, :]  # (B, N, num_bins)
    dest = jnp.where(valid, offsets[:, None, :] + rank, M)  # (B, N, num_bins)
    batch_idx = jnp.arange(Bv)[:, None, None]
    rows = jnp.zeros((Bv, M), dtype=order.dtype).at[batch_idx, dest].set(order, mode='drop')
    index_down = rows.reshape(Bv, 1, M)
    return index_down


def reference(x, w_score, bin_prob_logits, Wv):
    index_down = _downsample_indices(x, w_score, bin_prob_logits)  # (B, 1, M)
    idx = jnp.broadcast_to(index_down, (x.shape[0], x.shape[1], M))
    x_down = jnp.take_along_axis(x, idx, axis=2)  # (B, C, M)
    out = jnp.einsum('oc,bcm->bom', Wv, x_down)  # (B, out_channels, M)
    return out, index_down

if __name__ == "__main__":
    import jax
    _d = setup_inputs()
    print(jax.jit(kernel)(*tuple(_d.values())))

</pallas_src>

<mosaic_0001>
#map = affine_map<(d0, d1) -> (0, 0)>
#map1 = affine_map<(d0, d1) -> (0, 0, 0)>
module attributes {stable_mosaic.version = 14 : i64} {
  func.func @_sc_rows_body(%arg0: i32, %arg1: i32, %arg2: memref<16x32768xi32, #tpu.memory_space<hbm>>, %arg3: memref<16x32768xi32, #tpu.memory_space<hbm>>, %arg4: memref<6x16x32768xi32, #tpu.memory_space<hbm>>, %arg5: memref<16x8192xi32, #tpu.memory_space<hbm>>, %arg6: memref<8192xi32, #tpu.memory_space<vmem>>, %arg7: memref<8192xi32, #tpu.memory_space<vmem>>, %arg8: memref<4096xi32, #tpu.memory_space<vmem>>) attributes {dimension_semantics = [#tpu.dimension_semantics<core_parallel>, #tpu.dimension_semantics<subcore_parallel>], iteration_bounds = array<i64: 2, 16>, scalar_prefetch = 0 : i64, scratch_operands = 3 : i64, tpu.core_type = #tpu.core_type<sc_vector_subcore>, window_params = [{transform_indices = #map}, {transform_indices = #map}, {transform_indices = #map1}, {transform_indices = #map}]} {
    %mul3A = arith.constant 2 : i32
    %mul3A_0 = arith.muli %arg1, %mul3A : i32
    %add3A = arith.addi %mul3A_0, %arg0 : i32
    %jit3A = arith.constant 2 : i32
    %div3A = arith.divsi %add3A, %jit3A : i32
    %sign3A = arith.constant 0 : i32
    %sign3A_1 = arith.cmpi sgt, %add3A, %sign3A : i32
    %sign3A_2 = arith.extui %sign3A_1 : i1 to i32
    %sign3A_3 = arith.constant 0 : i32
    %sign3A_4 = arith.cmpi slt, %add3A, %sign3A_3 : i32
    %sign3A_5 = arith.extui %sign3A_4 : i1 to i32
    %sign3A_6 = arith.subi %sign3A_2, %sign3A_5 : i32
    %sign3A_7 = arith.constant 0 : i32
    %sign3A_8 = arith.cmpi sgt, %jit3A, %sign3A_7 : i32
    %sign3A_9 = arith.extui %sign3A_8 : i1 to i32
    %sign3A_10 = arith.constant 0 : i32
    %sign3A_11 = arith.cmpi slt, %jit3A, %sign3A_10 : i32
    %sign3A_12 = arith.extui %sign3A_11 : i1 to i32
    %sign3A_13 = arith.subi %sign3A_9, %sign3A_12 : i32
    %ne3A = arith.cmpi ne, %sign3A_6, %sign3A_13 : i32
    %rem3A = arith.remsi %add3A, %jit3A : i32
    %ne3A_14 = arith.constant 0 : i32
    %ne3A_15 = arith.cmpi ne, %rem3A, %ne3A_14 : i32
    %and3A = arith.andi %ne3A, %ne3A_15 : i1
    %sub3A = arith.constant 1 : i32
    %sub3A_16 = arith.subi %div3A, %sub3A : i32
    %select_n3A = arith.select %and3A, %sub3A_16, %div3A : i32
    %jit3A_17 = arith.constant 2 : i32
    %eq3A = arith.constant 0 : i32
    %eq3A_18 = arith.cmpi eq, %jit3A_17, %eq3A : i32
    %jit3A_19 = arith.constant 1 : i32
    %select_n3A_20 = arith.select %eq3A_18, %jit3A_19, %jit3A_17 : i32
    %rem3A_21 = arith.remsi %add3A, %select_n3A_20 : i32
    %ne3A_22 = arith.constant 0 : i32
    %ne3A_23 = arith.cmpi ne, %rem3A_21, %ne3A_22 : i32
    %lt3A = arith.constant 0 : i32
    %lt3A_24 = arith.cmpi slt, %rem3A_21, %lt3A : i32
    %lt3A_25 = arith.constant 0 : i32
    %lt3A_26 = arith.cmpi slt, %select_n3A_20, %lt3A_25 : i32
    %ne3A_27 = arith.xori %lt3A_24, %lt3A_26 : i1
    %and3A_28 = arith.andi %ne3A_27, %ne3A_23 : i1
    %add3A_29 = arith.addi %rem3A_21, %select_n3A_20 : i32
    %select_n3A_30 = arith.select %and3A_28, %add3A_29, %rem3A_21 : i32
    %mul3A_31 = arith.constant 4096 : i32
    %mul3A_32 = arith.muli %select_n3A_30, %mul3A_31 : i32
    %broadcast_in_dim3A = arith.constant 0 : i32
    %broadcast_in_dim3A_33 = vector.broadcast %broadcast_in_dim3A : i32 to vector<16xi32>
    %scan3A = arith.constant 0 : i32
    %scan3A_34 = arith.constant 0 : i32
    %scan3A_35 = arith.constant 256 : i32
    %scan3A_36 = arith.addi %scan3A_34, %scan3A_35 : i32
    %scan3A_37 = arith.constant 1 : i32
    %scan3A_38 = scf.for %scan3A_89 = %scan3A_34 to %scan3A_36 step %scan3A_37 iter_args(%scan3A_90 = %scan3A) -> (i32)  : i32 {
      %mul3A_91 = arith.constant 16 : i32
      %mul3A_92 = arith.muli %scan3A_89, %mul3A_91 : i32
      %swap3A = arith.index_cast %mul3A_92 : i32 to index
      %swap3A_93 = tpu.vector_load %arg8[%swap3A] {strides = array<i32>} : memref<4096xi32, #tpu.memory_space<vmem>>, vector<16xi32>,
      tpu.vector_store %arg8[%swap3A], %broadcast_in_dim3A_33 {strides = array<i32>} : memref<4096xi32, #tpu.memory_space<vmem>>, vector<16xi32>,
      %scan3A_94 = arith.constant 0 : i32
      scf.yield %scan3A_94 : i32
    }
    %scan3A_39 = arith.constant 256 : i32
    %iota3A = tpu.iota {dimensions = array<i32: 0>} : vector<16xi32>
    %scan3A_40 = arith.constant 0 : i32
    %scan3A_41 = arith.constant 0 : i32
    %scan3A_42 = arith.constant 4 : i32
    %scan3A_43 = arith.addi %scan3A_41, %scan3A_42 : i32
    %scan3A_44 = arith.constant 1 : i32
    %scan3A_45 = scf.for %scan3A_89 = %scan3A_41 to %scan3A_43 step %scan3A_44 iter_args(%scan3A_90 = %scan3A_40) -> (i32)  : i32 {
      %mul3A_91 = arith.constant 8192 : i32
      %mul3A_92 = arith.muli %scan3A_89, %mul3A_91 : i32
      "tpu.region"() ({
        %run_scoped3A = tpu.sem_alloc : memref<!tpu.dma_semaphore, #tpu.memory_space<semaphore_mem>>
        %dma_start3A = tpu.memref_slice %arg2[%select_n3A, %mul3A_92] : memref<16x32768xi32, #tpu.memory_space<hbm>> -> memref<1x8192xi32, #tpu.memory_space<hbm>>
        %dma_start3A_103 = tpu.memref_squeeze %dma_start3A : memref<1x8192xi32, #tpu.memory_space<hbm>> -> memref<8192xi32, #tpu.memory_space<hbm>>
        %dma_start3A_104 = tpu.memref_slice %arg2[%select_n3A, %mul3A_92] : memref<16x32768xi32, #tpu.memory_space<hbm>> -> memref<1x8192xi32, #tpu.memory_space<hbm>>
        %dma_start3A_105 = tpu.memref_squeeze %dma_start3A_104 : memref<1x8192xi32, #tpu.memory_space<hbm>> -> memref<8192xi32, #tpu.memory_space<hbm>>
        tpu.enqueue_dma source(%dma_start3A_105 : memref<8192xi32, #tpu.memory_space<hbm>>) target(%arg6 : memref<8192xi32, #tpu.memory_space<vmem>>) target_semaphore(%run_scoped3A : memref<!tpu.dma_semaphore, #tpu.memory_space<semaphore_mem>>)
        %dma_wait3A = tpu.memref_slice %arg2[%select_n3A, %mul3A_92] : memref<16x32768xi32, #tpu.memory_space<hbm>> -> memref<1x8192xi32, #tpu.memory_space<hbm>>
        %dma_wait3A_106 = tpu.memref_squeeze %dma_wait3A : memref<1x8192xi32, #tpu.memory_space<hbm>> -> memref<8192xi32, #tpu.memory_space<hbm>>
        %dma_wait3A_107 = tpu.memref_slice %arg2[%select_n3A, %mul3A_92] : memref<16x32768xi32, #tpu.memory_space<hbm>> -> memref<1x8192xi32, #tpu.memory_space<hbm>>
        %dma_wait3A_108 = tpu.memref_squeeze %dma_wait3A_107 : memref<1x8192xi32, #tpu.memory_space<hbm>> -> memref<8192xi32, #tpu.memory_space<hbm>>
        tpu.wait_dma2 semaphore(%run_scoped3A : memref<!tpu.dma_semaphore, #tpu.memory_space<semaphore_mem>>) src(%dma_wait3A_108 : memref<8192xi32, #tpu.memory_space<hbm>>) dst(%arg6 : memref<8192xi32, #tpu.memory_space<vmem>>)
        tpu.yield
      }) : () -> ()
      %mul3A_93 = arith.constant 8192 : i32
      %mul3A_94 = arith.muli %scan3A_89, %mul3A_93 : i32
      "tpu.region"() ({
        %run_scoped3A = tpu.sem_alloc : memref<!tpu.dma_semaphore, #tpu.memory_space<semaphore_mem>>
        %dma_start3A = tpu.memref_slice %arg3[%select_n3A, %mul3A_94] : memref<16x32768xi32, #tpu.memory_space<hbm>> -> memref<1x8192xi32, #tpu.memory_space<hbm>>
        %dma_start3A_103 = tpu.memref_squeeze %dma_start3A : memref<1x8192xi32, #tpu.memory_space<hbm>> -> memref<8192xi32, #tpu.memory_space<hbm>>
        %dma_start3A_104 = tpu.memref_slice %arg3[%select_n3A, %mul3A_94] : memref<16x32768xi32, #tpu.memory_space<hbm>> -> memref<1x8192xi32, #tpu.memory_space<hbm>>
        %dma_start3A_105 = tpu.memref_squeeze %dma_start3A_104 : memref<1x8192xi32, #tpu.memory_space<hbm>> -> memref<8192xi32, #tpu.memory_space<hbm>>
        tpu.enqueue_dma source(%dma_start3A_105 : memref<8192xi32, #tpu.memory_space<hbm>>) target(%arg7 : memref<8192xi32, #tpu.memory_space<vmem>>) target_semaphore(%run_scoped3A : memref<!tpu.dma_semaphore, #tpu.memory_space<semaphore_mem>>)
        %dma_wait3A = tpu.memref_slice %arg3[%select_n3A, %mul3A_94] : memref<16x32768xi32, #tpu.memory_space<hbm>> -> memref<1x8192xi32, #tpu.memory_space<hbm>>
        %dma_wait3A_106 = tpu.memref_squeeze %dma_wait3A : memref<1x8192xi32, #tpu.memory_space<hbm>> -> memref<8192xi32, #tpu.memory_space<hbm>>
        %dma_wait3A_107 = tpu.memref_slice %arg3[%select_n3A, %mul3A_94] : memref<16x32768xi32, #tpu.memory_space<hbm>> -> memref<1x8192xi32, #tpu.memory_space<hbm>>
        %dma_wait3A_108 = tpu.memref_squeeze %dma_wait3A_107 : memref<1x8192xi32, #tpu.memory_space<hbm>> -> memref<8192xi32, #tpu.memory_space<hbm>>
        tpu.wait_dma2 semaphore(%run_scoped3A : memref<!tpu.dma_semaphore, #tpu.memory_space<semaphore_mem>>) src(%dma_wait3A_108 : memref<8192xi32, #tpu.memory_space<hbm>>) dst(%arg7 : memref<8192xi32, #tpu.memory_space<vmem>>)
        tpu.yield
      }) : () -> ()
      %scan3A_95 = arith.constant 0 : i32
      %scan3A_96 = arith.constant 0 : i32
      %scan3A_97 = arith.constant 512 : i32
      %scan3A_98 = arith.addi %scan3A_96, %scan3A_97 : i32
      %scan3A_99 = arith.constant 1 : i32
      %scan3A_100 = scf.for %scan3A_103 = %scan3A_96 to %scan3A_98 step %scan3A_99 iter_args(%scan3A_104 = %scan3A_95) -> (i32)  : i32 {
        %mul3A_105 = arith.constant 16 : i32
        %mul3A_106 = arith.muli %scan3A_103, %mul3A_105 : i32
        %get3A = arith.index_cast %mul3A_106 : i32 to index
        %get3A_107 = tpu.vector_load %arg6[%get3A] {strides = array<i32>} : memref<8192xi32, #tpu.memory_space<vmem>>, vector<16xi32>,
        %sub3A_108 = vector.broadcast %mul3A_32 : i32 to vector<16xi32>
        %sub3A_109 = arith.subi %get3A_107, %sub3A_108 : vector<16xi32>
        %mul3A_110 = arith.constant 16 : i32
        %mul3A_111 = arith.muli %scan3A_103, %mul3A_110 : i32
        %get3A_112 = arith.index_cast %mul3A_111 : i32 to index
        %get3A_113 = tpu.vector_load %arg7[%get3A_112] {strides = array<i32>} : memref<8192xi32, #tpu.memory_space<vmem>>, vector<16xi32>,
        %ge3A = arith.constant 0 : i32
        %ge3A_114 = vector.broadcast %ge3A : i32 to vector<16xi32>
        %ge3A_115 = arith.cmpi sge, %sub3A_109, %ge3A_114 : vector<16xi32>
        %lt3A_116 = arith.constant 4096 : i32
        %lt3A_117 = vector.broadcast %lt3A_116 : i32 to vector<16xi32>
        %lt3A_118 = arith.cmpi slt, %sub3A_109, %lt3A_117 : vector<16xi32>
        %and3A_119 = arith.andi %ge3A_115, %lt3A_118 : vector<16xi1>
        %jit3A_120 = arith.constant 0 : i32
        %jit3A_121 = arith.constant 4095 : i32
        %max3A = vector.broadcast %jit3A_120 : i32 to vector<16xi32>
        %max3A_122 = arith.maxsi %max3A, %sub3A_109 : vector<16xi32>
        %min3A = vector.broadcast %jit3A_121 : i32 to vector<16xi32>
        %min3A_123 = arith.minsi %min3A, %max3A_122 : vector<16xi32>
        tpu.vector_store_idx %arg8[%min3A_123], %get3A_113 masked %and3A_119 : memref<4096xi32, #tpu.memory_space<vmem>>[vector<16xi32>], vector<16xi32>, vector<16xi1>
        %scan3A_124 = arith.constant 0 : i32
        scf.yield %scan3A_124 : i32
      }
      %scan3A_101 = arith.constant 512 : i32
      %scan3A_102 = arith.constant 0 : i32
      scf.yield %scan3A_102 : i32
    }
    %scan3A_46 = arith.constant 4 : i32
    %scan3A_47 = arith.constant 0 : i32
    %scan3A_48 = arith.constant 0 : i32
    %scan3A_49 = arith.constant 4 : i32
    %scan3A_50 = arith.addi %scan3A_48, %scan3A_49 : i32
    %scan3A_51 = arith.constant 1 : i32
    %scan3A_52 = scf.for %scan3A_89 = %scan3A_48 to %scan3A_50 step %scan3A_51 iter_args(%scan3A_90 = %scan3A_47) -> (i32)  : i32 {
      %mul3A_91 = arith.constant 8192 : i32
      %mul3A_92 = arith.muli %scan3A_89, %mul3A_91 : i32
      %run_scoped3A = arith.constant 0 : i32
      "tpu.region"() ({
        %run_scoped3A_101 = tpu.sem_alloc : memref<!tpu.dma_semaphore, #tpu.memory_space<semaphore_mem>>
        %dma_start3A = tpu.memref_slice %arg4[%run_scoped3A, %select_n3A, %mul3A_92] : memref<6x16x32768xi32, #tpu.memory_space<hbm>> -> memref<1x1x8192xi32, #tpu.memory_space<hbm>>
        %dma_start3A_102 = tpu.memref_squeeze %dma_start3A : memref<1x1x8192xi32, #tpu.memory_space<hbm>> -> memref<8192xi32, #tpu.memory_space<hbm>>
        %dma_start3A_103 = tpu.memref_slice %arg4[%run_scoped3A, %select_n3A, %mul3A_92] : memref<6x16x32768xi32, #tpu.memory_space<hbm>> -> memref<1x1x8192xi32, #tpu.memory_space<hbm>>
        %dma_start3A_104 = tpu.memref_squeeze %dma_start3A_103 : memref<1x1x8192xi32, #tpu.memory_space<hbm>> -> memref<8192xi32, #tpu.memory_space<hbm>>
        tpu.enqueue_dma source(%dma_start3A_104 : memref<8192xi32, #tpu.memory_space<hbm>>) target(%arg6 : memref<8192xi32, #tpu.memory_space<vmem>>) target_semaphore(%run_scoped3A_101 : memref<!tpu.dma_semaphore, #tpu.memory_space<semaphore_mem>>)
        %dma_wait3A = tpu.memref_slice %arg4[%run_scoped3A, %select_n3A, %mul3A_92] : memref<6x16x32768xi32, #tpu.memory_space<hbm>> -> memref<1x1x8192xi32, #tpu.memory_space<hbm>>
        %dma_wait3A_105 = tpu.memref_squeeze %dma_wait3A : memref<1x1x8192xi32, #tpu.memory_space<hbm>> -> memref<8192xi32, #tpu.memory_space<hbm>>
        %dma_wait3A_106 = tpu.memref_slice %arg4[%run_scoped3A, %select_n3A, %mul3A_92] : memref<6x16x32768xi32, #tpu.memory_space<hbm>> -> memref<1x1x8192xi32, #tpu.memory_space<hbm>>
        %dma_wait3A_107 = tpu.memref_squeeze %dma_wait3A_106 : memref<1x1x8192xi32, #tpu.memory_space<hbm>> -> memref<8192xi32, #tpu.memory_space<hbm>>
        tpu.wait_dma2 semaphore(%run_scoped3A_101 : memref<!tpu.dma_semaphore, #tpu.memory_space<semaphore_mem>>) src(%dma_wait3A_107 : memref<8192xi32, #tpu.memory_space<hbm>>) dst(%arg6 : memref<8192xi32, #tpu.memory_space<vmem>>)
        tpu.yield
      }) : () -> ()
      %scan3A_93 = arith.constant 0 : i32
      %scan3A_94 = arith.constant 0 : i32
      %scan3A_95 = arith.constant 512 : i32
      %scan3A_96 = arith.addi %scan3A_94, %scan3A_95 : i32
      %scan3A_97 = arith.constant 1 : i32
      %scan3A_98 = scf.for %scan3A_101 = %scan3A_94 to %scan3A_96 step %scan3A_97 iter_args(%scan3A_102 = %scan3A_93) -> (i32)  : i32 {
        %mul3A_103 = arith.constant 8192 : i32
        %mul3A_104 = arith.muli %scan3A_89, %mul3A_103 : i32
        %mul3A_105 = arith.constant 16 : i32
        %mul3A_106 = arith.muli %scan3A_101, %mul3A_105 : i32
        %add3A_107 = arith.addi %mul3A_104, %mul3A_106 : i32
        %add3A_108 = vector.broadcast %add3A_107 : i32 to vector<16xi32>
        %add3A_109 = arith.addi %add3A_108, %iota3A : vector<16xi32>
        %mul3A_110 = arith.constant 16 : i32
        %mul3A_111 = arith.muli %scan3A_101, %mul3A_110 : i32
        %get3A = arith.index_cast %mul3A_111 : i32 to index
        %get3A_112 = tpu.vector_load %arg6[%get3A] {strides = array<i32>} : memref<8192xi32, #tpu.memory_space<vmem>>, vector<16xi32>,
        %sub3A_113 = vector.broadcast %mul3A_32 : i32 to vector<16xi32>
        %sub3A_114 = arith.subi %get3A_112, %sub3A_113 : vector<16xi32>
        %ge3A = arith.constant 0 : i32
        %ge3A_115 = vector.broadcast %ge3A : i32 to vector<16xi32>
        %ge3A_116 = arith.cmpi sge, %sub3A_114, %ge3A_115 : vector<16xi32>
        %lt3A_117 = arith.constant 4096 : i32
        %lt3A_118 = vector.broadcast %lt3A_117 : i32 to vector<16xi32>
        %lt3A_119 = arith.cmpi slt, %sub3A_114, %lt3A_118 : vector<16xi32>
        %and3A_120 = arith.andi %ge3A_116, %lt3A_119 : vector<16xi1>
        %jit3A_121 = arith.constant 0 : i32
        %jit3A_122 = arith.constant 4095 : i32
        %max3A = vector.broadcast %jit3A_121 : i32 to vector<16xi32>
        %max3A_123 = arith.maxsi %max3A, %sub3A_114 : vector<16xi32>
        %min3A = vector.broadcast %jit3A_122 : i32 to vector<16xi32>
        %min3A_124 = arith.minsi %min3A, %max3A_123 : vector<16xi32>
        tpu.vector_store_idx %arg8[%min3A_124], %add3A_109 masked %and3A_120 : memref<4096xi32, #tpu.memory_space<vmem>>[vector<16xi32>], vector<16xi32>, vector<16xi1>
        %scan3A_125 = arith.constant 0 : i32
        scf.yield %scan3A_125 : i32
      }
      %scan3A_99 = arith.constant 512 : i32
      %scan3A_100 = arith.constant 0 : i32
      scf.yield %scan3A_100 : i32
    }
    %scan3A_53 = arith.constant 4 : i32
    %scan3A_54 = arith.constant 0 : i32
    %scan3A_55 = arith.constant 0 : i32
    %scan3A_56 = arith.constant 4 : i32
    %scan3A_57 = arith.addi %scan3A_55, %scan3A_56 : i32
    %scan3A_58 = arith.constant 1 : i32
    %scan3A_59 = scf.for %scan3A_89 = %scan3A_55 to %scan3A_57 step %scan3A_58 iter_args(%scan3A_90 = %scan3A_54) -> (i32)  : i32 {
      %mul3A_91 = arith.constant 8192 : i32
      %mul3A_92 = arith.muli %scan3A_89, %mul3A_91 : i32
      %run_scoped3A = arith.constant 1 : i32
      "tpu.region"() ({
        %run_scoped3A_101 = tpu.sem_alloc : memref<!tpu.dma_semaphore, #tpu.memory_space<semaphore_mem>>
        %dma_start3A = tpu.memref_slice %arg4[%run_scoped3A, %select_n3A, %mul3A_92] : memref<6x16x32768xi32, #tpu.memory_space<hbm>> -> memref<1x1x8192xi32, #tpu.memory_space<hbm>>
        %dma_start3A_102 = tpu.memref_squeeze %dma_start3A : memref<1x1x8192xi32, #tpu.memory_space<hbm>> -> memref<8192xi32, #tpu.memory_space<hbm>>
        %dma_start3A_103 = tpu.memref_slice %arg4[%run_scoped3A, %select_n3A, %mul3A_92] : memref<6x16x32768xi32, #tpu.memory_space<hbm>> -> memref<1x1x8192xi32, #tpu.memory_space<hbm>>
        %dma_start3A_104 = tpu.memref_squeeze %dma_start3A_103 : memref<1x1x8192xi32, #tpu.memory_space<hbm>> -> memref<8192xi32, #tpu.memory_space<hbm>>
        tpu.enqueue_dma source(%dma_start3A_104 : memref<8192xi32, #tpu.memory_space<hbm>>) target(%arg6 : memref<8192xi32, #tpu.memory_space<vmem>>) target_semaphore(%run_scoped3A_101 : memref<!tpu.dma_semaphore, #tpu.memory_space<semaphore_mem>>)
        %dma_wait3A = tpu.memref_slice %arg4[%run_scoped3A, %select_n3A, %mul3A_92] : memref<6x16x32768xi32, #tpu.memory_space<hbm>> -> memref<1x1x8192xi32, #tpu.memory_space<hbm>>
        %dma_wait3A_105 = tpu.memref_squeeze %dma_wait3A : memref<1x1x8192xi32, #tpu.memory_space<hbm>> -> memref<8192xi32, #tpu.memory_space<hbm>>
        %dma_wait3A_106 = tpu.memref_slice %arg4[%run_scoped3A, %select_n3A, %mul3A_92] : memref<6x16x32768xi32, #tpu.memory_space<hbm>> -> memref<1x1x8192xi32, #tpu.memory_space<hbm>>
        %dma_wait3A_107 = tpu.memref_squeeze %dma_wait3A_106 : memref<1x1x8192xi32, #tpu.memory_space<hbm>> -> memref<8192xi32, #tpu.memory_space<hbm>>
        tpu.wait_dma2 semaphore(%run_scoped3A_101 : memref<!tpu.dma_semaphore, #tpu.memory_space<semaphore_mem>>) src(%dma_wait3A_107 : memref<8192xi32, #tpu.memory_space<hbm>>) dst(%arg6 : memref<8192xi32, #tpu.memory_space<vmem>>)
        tpu.yield
      }) : () -> ()
      %scan3A_93 = arith.constant 0 : i32
      %scan3A_94 = arith.constant 0 : i32
      %scan3A_95 = arith.constant 512 : i32
      %scan3A_96 = arith.addi %scan3A_94, %scan3A_95 : i32
      %scan3A_97 = arith.constant 1 : i32
      %scan3A_98 = scf.for %scan3A_101 = %scan3A_94 to %scan3A_96 step %scan3A_97 iter_args(%scan3A_102 = %scan3A_93) -> (i32)  : i32 {
        %mul3A_103 = arith.constant 8192 : i32
        %mul3A_104 = arith.muli %scan3A_89, %mul3A_103 : i32
        %mul3A_105 = arith.constant 16 : i32
        %mul3A_106 = arith.muli %scan3A_101, %mul3A_105 : i32
        %add3A_107 = arith.addi %mul3A_104, %mul3A_106 : i32
        %add3A_108 = vector.broadcast %add3A_107 : i32 to vector<16xi32>
        %add3A_109 = arith.addi %add3A_108, %iota3A : vector<16xi32>
        %mul3A_110 = arith.constant 16 : i32
        %mul3A_111 = arith.muli %scan3A_101, %mul3A_110 : i32
        %get3A = arith.index_cast %mul3A_111 : i32 to index
        %get3A_112 = tpu.vector_load %arg6[%get3A] {strides = array<i32>} : memref<8192xi32, #tpu.memory_space<vmem>>, vector<16xi32>,
        %sub3A_113 = vector.broadcast %mul3A_32 : i32 to vector<16xi32>
        %sub3A_114 = arith.subi %get3A_112, %sub3A_113 : vector<16xi32>
        %ge3A = arith.constant 0 : i32
        %ge3A_115 = vector.broadcast %ge3A : i32 to vector<16xi32>
        %ge3A_116 = arith.cmpi sge, %sub3A_114, %ge3A_115 : vector<16xi32>
        %lt3A_117 = arith.constant 4096 : i32
        %lt3A_118 = vector.broadcast %lt3A_117 : i32 to vector<16xi32>
        %lt3A_119 = arith.cmpi slt, %sub3A_114, %lt3A_118 : vector<16xi32>
        %and3A_120 = arith.andi %ge3A_116, %lt3A_119 : vector<16xi1>
        %jit3A_121 = arith.constant 0 : i32
        %jit3A_122 = arith.constant 4095 : i32
        %max3A = vector.broadcast %jit3A_121 : i32 to vector<16xi32>
        %max3A_123 = arith.maxsi %max3A, %sub3A_114 : vector<16xi32>
        %min3A = vector.broadcast %jit3A_122 : i32 to vector<16xi32>
        %min3A_124 = arith.minsi %min3A, %max3A_123 : vector<16xi32>
        tpu.vector_store_idx %arg8[%min3A_124], %add3A_109 masked %and3A_120 : memref<4096xi32, #tpu.memory_space<vmem>>[vector<16xi32>], vector<16xi32>, vector<16xi1>
        %scan3A_125 = arith.constant 0 : i32
        scf.yield %scan3A_125 : i32
      }
      %scan3A_99 = arith.constant 512 : i32
      %scan3A_100 = arith.constant 0 : i32
      scf.yield %scan3A_100 : i32
    }
    %scan3A_60 = arith.constant 4 : i32
    %scan3A_61 = arith.constant 0 : i32
    %scan3A_62 = arith.constant 0 : i32
    %scan3A_63 = arith.constant 4 : i32
    %scan3A_64 = arith.addi %scan3A_62, %scan3A_63 : i32
    %scan3A_65 = arith.constant 1 : i32
    %scan3A_66 = scf.for %scan3A_89 = %scan3A_62 to %scan3A_64 step %scan3A_65 iter_args(%scan3A_90 = %scan3A_61) -> (i32)  : i32 {
      %mul3A_91 = arith.constant 8192 : i32
      %mul3A_92 = arith.muli %scan3A_89, %mul3A_91 : i32
      %run_scoped3A = arith.constant 2 : i32
      "tpu.region"() ({
        %run_scoped3A_101 = tpu.sem_alloc : memref<!tpu.dma_semaphore, #tpu.memory_space<semaphore_mem>>
        %dma_start3A = tpu.memref_slice %arg4[%run_scoped3A, %select_n3A, %mul3A_92] : memref<6x16x32768xi32, #tpu.memory_space<hbm>> -> memref<1x1x8192xi32, #tpu.memory_space<hbm>>
        %dma_start3A_102 = tpu.memref_squeeze %dma_start3A : memref<1x1x8192xi32, #tpu.memory_space<hbm>> -> memref<8192xi32, #tpu.memory_space<hbm>>
        %dma_start3A_103 = tpu.memref_slice %arg4[%run_scoped3A, %select_n3A, %mul3A_92] : memref<6x16x32768xi32, #tpu.memory_space<hbm>> -> memref<1x1x8192xi32, #tpu.memory_space<hbm>>
        %dma_start3A_104 = tpu.memref_squeeze %dma_start3A_103 : memref<1x1x8192xi32, #tpu.memory_space<hbm>> -> memref<8192xi32, #tpu.memory_space<hbm>>
        tpu.enqueue_dma source(%dma_start3A_104 : memref<8192xi32, #tpu.memory_space<hbm>>) target(%arg6 : memref<8192xi32, #tpu.memory_space<vmem>>) target_semaphore(%run_scoped3A_101 : memref<!tpu.dma_semaphore, #tpu.memory_space<semaphore_mem>>)
        %dma_wait3A = tpu.memref_slice %arg4[%run_scoped3A, %select_n3A, %mul3A_92] : memref<6x16x32768xi32, #tpu.memory_space<hbm>> -> memref<1x1x8192xi32, #tpu.memory_space<hbm>>
        %dma_wait3A_105 = tpu.memref_squeeze %dma_wait3A : memref<1x1x8192xi32, #tpu.memory_space<hbm>> -> memref<8192xi32, #tpu.memory_space<hbm>>
        %dma_wait3A_106 = tpu.memref_slice %arg4[%run_scoped3A, %select_n3A, %mul3A_92] : memref<6x16x32768xi32, #tpu.memory_space<hbm>> -> memref<1x1x8192xi32, #tpu.memory_space<hbm>>
        %dma_wait3A_107 = tpu.memref_squeeze %dma_wait3A_106 : memref<1x1x8192xi32, #tpu.memory_space<hbm>> -> memref<8192xi32, #tpu.memory_space<hbm>>
        tpu.wait_dma2 semaphore(%run_scoped3A_101 : memref<!tpu.dma_semaphore, #tpu.memory_space<semaphore_mem>>) src(%dma_wait3A_107 : memref<8192xi32, #tpu.memory_space<hbm>>) dst(%arg6 : memref<8192xi32, #tpu.memory_space<vmem>>)
        tpu.yield
      }) : () -> ()
      %scan3A_93 = arith.constant 0 : i32
      %scan3A_94 = arith.constant 0 : i32
      %scan3A_95 = arith.constant 512 : i32
      %scan3A_96 = arith.addi %scan3A_94, %scan3A_95 : i32
      %scan3A_97 = arith.constant 1 : i32
      %scan3A_98 = scf.for %scan3A_101 = %scan3A_94 to %scan3A_96 step %scan3A_97 iter_args(%scan3A_102 = %scan3A_93) -> (i32)  : i32 {
        %mul3A_103 = arith.constant 8192 : i32
        %mul3A_104 = arith.muli %scan3A_89, %mul3A_103 : i32
        %mul3A_105 = arith.constant 16 : i32
        %mul3A_106 = arith.muli %scan3A_101, %mul3A_105 : i32
        %add3A_107 = arith.addi %mul3A_104, %mul3A_106 : i32
        %add3A_108 = vector.broadcast %add3A_107 : i32 to vector<16xi32>
        %add3A_109 = arith.addi %add3A_108, %iota3A : vector<16xi32>
        %mul3A_110 = arith.constant 16 : i32
        %mul3A_111 = arith.muli %scan3A_101, %mul3A_110 : i32
        %get3A = arith.index_cast %mul3A_111 : i32 to index
        %get3A_112 = tpu.vector_load %arg6[%get3A] {strides = array<i32>} : memref<8192xi32, #tpu.memory_space<vmem>>, vector<16xi32>,
        %sub3A_113 = vector.broadcast %mul3A_32 : i32 to vector<16xi32>
        %sub3A_114 = arith.subi %get3A_112, %sub3A_113 : vector<16xi32>
        %ge3A = arith.constant 0 : i32
        %ge3A_115 = vector.broadcast %ge3A : i32 to vector<16xi32>
        %ge3A_116 = arith.cmpi sge, %sub3A_114, %ge3A_115 : vector<16xi32>
        %lt3A_117 = arith.constant 4096 : i32
        %lt3A_118 = vector.broadcast %lt3A_117 : i32 to vector<16xi32>
        %lt3A_119 = arith.cmpi slt, %sub3A_114, %lt3A_118 : vector<16xi32>
        %and3A_120 = arith.andi %ge3A_116, %lt3A_119 : vector<16xi1>
        %jit3A_121 = arith.constant 0 : i32
        %jit3A_122 = arith.constant 4095 : i32
        %max3A = vector.broadcast %jit3A_121 : i32 to vector<16xi32>
        %max3A_123 = arith.maxsi %max3A, %sub3A_114 : vector<16xi32>
        %min3A = vector.broadcast %jit3A_122 : i32 to vector<16xi32>
        %min3A_124 = arith.minsi %min3A, %max3A_123 : vector<16xi32>
        tpu.vector_store_idx %arg8[%min3A_124], %add3A_109 masked %and3A_120 : memref<4096xi32, #tpu.memory_space<vmem>>[vector<16xi32>], vector<16xi32>, vector<16xi1>
        %scan3A_125 = arith.constant 0 : i32
        scf.yield %scan3A_125 : i32
      }
      %scan3A_99 = arith.constant 512 : i32
      %scan3A_100 = arith.constant 0 : i32
      scf.yield %scan3A_100 : i32
    }
    %scan3A_67 = arith.constant 4 : i32
    %scan3A_68 = arith.constant 0 : i32
    %scan3A_69 = arith.constant 0 : i32
    %scan3A_70 = arith.constant 4 : i32
    %scan3A_71 = arith.addi %scan3A_69, %scan3A_70 : i32
    %scan3A_72 = arith.constant 1 : i32
    %scan3A_73 = scf.for %scan3A_89 = %scan3A_69 to %scan3A_71 step %scan3A_72 iter_args(%scan3A_90 = %scan3A_68) -> (i32)  : i32 {
      %mul3A_91 = arith.constant 8192 : i32
      %mul3A_92 = arith.muli %scan3A_89, %mul3A_91 : i32
      %run_scoped3A = arith.constant 3 : i32
      "tpu.region"() ({
        %run_scoped3A_101 = tpu.sem_alloc : memref<!tpu.dma_semaphore, #tpu.memory_space<semaphore_mem>>
        %dma_start3A = tpu.memref_slice %arg4[%run_scoped3A, %select_n3A, %mul3A_92] : memref<6x16x32768xi32, #tpu.memory_space<hbm>> -> memref<1x1x8192xi32, #tpu.memory_space<hbm>>
        %dma_start3A_102 = tpu.memref_squeeze %dma_start3A : memref<1x1x8192xi32, #tpu.memory_space<hbm>> -> memref<8192xi32, #tpu.memory_space<hbm>>
        %dma_start3A_103 = tpu.memref_slice %arg4[%run_scoped3A, %select_n3A, %mul3A_92] : memref<6x16x32768xi32, #tpu.memory_space<hbm>> -> memref<1x1x8192xi32, #tpu.memory_space<hbm>>
        %dma_start3A_104 = tpu.memref_squeeze %dma_start3A_103 : memref<1x1x8192xi32, #tpu.memory_space<hbm>> -> memref<8192xi32, #tpu.memory_space<hbm>>
        tpu.enqueue_dma source(%dma_start3A_104 : memref<8192xi32, #tpu.memory_space<hbm>>) target(%arg6 : memref<8192xi32, #tpu.memory_space<vmem>>) target_semaphore(%run_scoped3A_101 : memref<!tpu.dma_semaphore, #tpu.memory_space<semaphore_mem>>)
        %dma_wait3A = tpu.memref_slice %arg4[%run_scoped3A, %select_n3A, %mul3A_92] : memref<6x16x32768xi32, #tpu.memory_space<hbm>> -> memref<1x1x8192xi32, #tpu.memory_space<hbm>>
        %dma_wait3A_105 = tpu.memref_squeeze %dma_wait3A : memref<1x1x8192xi32, #tpu.memory_space<hbm>> -> memref<8192xi32, #tpu.memory_space<hbm>>
        %dma_wait3A_106 = tpu.memref_slice %arg4[%run_scoped3A, %select_n3A, %mul3A_92] : memref<6x16x32768xi32, #tpu.memory_space<hbm>> -> memref<1x1x8192xi32, #tpu.memory_space<hbm>>
        %dma_wait3A_107 = tpu.memref_squeeze %dma_wait3A_106 : memref<1x1x8192xi32, #tpu.memory_space<hbm>> -> memref<8192xi32, #tpu.memory_space<hbm>>
        tpu.wait_dma2 semaphore(%run_scoped3A_101 : memref<!tpu.dma_semaphore, #tpu.memory_space<semaphore_mem>>) src(%dma_wait3A_107 : memref<8192xi32, #tpu.memory_space<hbm>>) dst(%arg6 : memref<8192xi32, #tpu.memory_space<vmem>>)
        tpu.yield
      }) : () -> ()
      %scan3A_93 = arith.constant 0 : i32
      %scan3A_94 = arith.constant 0 : i32
      %scan3A_95 = arith.constant 512 : i32
      %scan3A_96 = arith.addi %scan3A_94, %scan3A_95 : i32
      %scan3A_97 = arith.constant 1 : i32
      %scan3A_98 = scf.for %scan3A_101 = %scan3A_94 to %scan3A_96 step %scan3A_97 iter_args(%scan3A_102 = %scan3A_93) -> (i32)  : i32 {
        %mul3A_103 = arith.constant 8192 : i32
        %mul3A_104 = arith.muli %scan3A_89, %mul3A_103 : i32
        %mul3A_105 = arith.constant 16 : i32
        %mul3A_106 = arith.muli %scan3A_101, %mul3A_105 : i32
        %add3A_107 = arith.addi %mul3A_104, %mul3A_106 : i32
        %add3A_108 = vector.broadcast %add3A_107 : i32 to vector<16xi32>
        %add3A_109 = arith.addi %add3A_108, %iota3A : vector<16xi32>
        %mul3A_110 = arith.constant 16 : i32
        %mul3A_111 = arith.muli %scan3A_101, %mul3A_110 : i32
        %get3A = arith.index_cast %mul3A_111 : i32 to index
        %get3A_112 = tpu.vector_load %arg6[%get3A] {strides = array<i32>} : memref<8192xi32, #tpu.memory_space<vmem>>, vector<16xi32>,
        %sub3A_113 = vector.broadcast %mul3A_32 : i32 to vector<16xi32>
        %sub3A_114 = arith.subi %get3A_112, %sub3A_113 : vector<16xi32>
        %ge3A = arith.constant 0 : i32
        %ge3A_115 = vector.broadcast %ge3A : i32 to vector<16xi32>
        %ge3A_116 = arith.cmpi sge, %sub3A_114, %ge3A_115 : vector<16xi32>
        %lt3A_117 = arith.constant 4096 : i32
        %lt3A_118 = vector.broadcast %lt3A_117 : i32 to vector<16xi32>
        %lt3A_119 = arith.cmpi slt, %sub3A_114, %lt3A_118 : vector<16xi32>
        %and3A_120 = arith.andi %ge3A_116, %lt3A_119 : vector<16xi1>
        %jit3A_121 = arith.constant 0 : i32
        %jit3A_122 = arith.constant 4095 : i32
        %max3A = vector.broadcast %jit3A_121 : i32 to vector<16xi32>
        %max3A_123 = arith.maxsi %max3A, %sub3A_114 : vector<16xi32>
        %min3A = vector.broadcast %jit3A_122 : i32 to vector<16xi32>
        %min3A_124 = arith.minsi %min3A, %max3A_123 : vector<16xi32>
        tpu.vector_store_idx %arg8[%min3A_124], %add3A_109 masked %and3A_120 : memref<4096xi32, #tpu.memory_space<vmem>>[vector<16xi32>], vector<16xi32>, vector<16xi1>
        %scan3A_125 = arith.constant 0 : i32
        scf.yield %scan3A_125 : i32
      }
      %scan3A_99 = arith.constant 512 : i32
      %scan3A_100 = arith.constant 0 : i32
      scf.yield %scan3A_100 : i32
    }
    %scan3A_74 = arith.constant 4 : i32
    %scan3A_75 = arith.constant 0 : i32
    %scan3A_76 = arith.constant 0 : i32
    %scan3A_77 = arith.constant 4 : i32
    %scan3A_78 = arith.addi %scan3A_76, %scan3A_77 : i32
    %scan3A_79 = arith.constant 1 : i32
    %scan3A_80 = scf.for %scan3A_89 = %scan3A_76 to %scan3A_78 step %scan3A_79 iter_args(%scan3A_90 = %scan3A_75) -> (i32)  : i32 {
      %mul3A_91 = arith.constant 8192 : i32
      %mul3A_92 = arith.muli %scan3A_89, %mul3A_91 : i32
      %run_scoped3A = arith.constant 4 : i32
      "tpu.region"() ({
        %run_scoped3A_101 = tpu.sem_alloc : memref<!tpu.dma_semaphore, #tpu.memory_space<semaphore_mem>>
        %dma_start3A = tpu.memref_slice %arg4[%run_scoped3A, %select_n3A, %mul3A_92] : memref<6x16x32768xi32, #tpu.memory_space<hbm>> -> memref<1x1x8192xi32, #tpu.memory_space<hbm>>
        %dma_start3A_102 = tpu.memref_squeeze %dma_start3A : memref<1x1x8192xi32, #tpu.memory_space<hbm>> -> memref<8192xi32, #tpu.memory_space<hbm>>
        %dma_start3A_103 = tpu.memref_slice %arg4[%run_scoped3A, %select_n3A, %mul3A_92] : memref<6x16x32768xi32, #tpu.memory_space<hbm>> -> memref<1x1x8192xi32, #tpu.memory_space<hbm>>
        %dma_start3A_104 = tpu.memref_squeeze %dma_start3A_103 : memref<1x1x8192xi32, #tpu.memory_space<hbm>> -> memref<8192xi32, #tpu.memory_space<hbm>>
        tpu.enqueue_dma source(%dma_start3A_104 : memref<8192xi32, #tpu.memory_space<hbm>>) target(%arg6 : memref<8192xi32, #tpu.memory_space<vmem>>) target_semaphore(%run_scoped3A_101 : memref<!tpu.dma_semaphore, #tpu.memory_space<semaphore_mem>>)
        %dma_wait3A = tpu.memref_slice %arg4[%run_scoped3A, %select_n3A, %mul3A_92] : memref<6x16x32768xi32, #tpu.memory_space<hbm>> -> memref<1x1x8192xi32, #tpu.memory_space<hbm>>
        %dma_wait3A_105 = tpu.memref_squeeze %dma_wait3A : memref<1x1x8192xi32, #tpu.memory_space<hbm>> -> memref<8192xi32, #tpu.memory_space<hbm>>
        %dma_wait3A_106 = tpu.memref_slice %arg4[%run_scoped3A, %select_n3A, %mul3A_92] : memref<6x16x32768xi32, #tpu.memory_space<hbm>> -> memref<1x1x8192xi32, #tpu.memory_space<hbm>>
        %dma_wait3A_107 = tpu.memref_squeeze %dma_wait3A_106 : memref<1x1x8192xi32, #tpu.memory_space<hbm>> -> memref<8192xi32, #tpu.memory_space<hbm>>
        tpu.wait_dma2 semaphore(%run_scoped3A_101 : memref<!tpu.dma_semaphore, #tpu.memory_space<semaphore_mem>>) src(%dma_wait3A_107 : memref<8192xi32, #tpu.memory_space<hbm>>) dst(%arg6 : memref<8192xi32, #tpu.memory_space<vmem>>)
        tpu.yield
      }) : () -> ()
      %scan3A_93 = arith.constant 0 : i32
      %scan3A_94 = arith.constant 0 : i32
      %scan3A_95 = arith.constant 512 : i32
      %scan3A_96 = arith.addi %scan3A_94, %scan3A_95 : i32
      %scan3A_97 = arith.constant 1 : i32
      %scan3A_98 = scf.for %scan3A_101 = %scan3A_94 to %scan3A_96 step %scan3A_97 iter_args(%scan3A_102 = %scan3A_93) -> (i32)  : i32 {
        %mul3A_103 = arith.constant 8192 : i32
        %mul3A_104 = arith.muli %scan3A_89, %mul3A_103 : i32
        %mul3A_105 = arith.constant 16 : i32
        %mul3A_106 = arith.muli %scan3A_101, %mul3A_105 : i32
        %add3A_107 = arith.addi %mul3A_104, %mul3A_106 : i32
        %add3A_108 = vector.broadcast %add3A_107 : i32 to vector<16xi32>
        %add3A_109 = arith.addi %add3A_108, %iota3A : vector<16xi32>
        %mul3A_110 = arith.constant 16 : i32
        %mul3A_111 = arith.muli %scan3A_101, %mul3A_110 : i32
        %get3A = arith.index_cast %mul3A_111 : i32 to index
        %get3A_112 = tpu.vector_load %arg6[%get3A] {strides = array<i32>} : memref<8192xi32, #tpu.memory_space<vmem>>, vector<16xi32>,
        %sub3A_113 = vector.broadcast %mul3A_32 : i32 to vector<16xi32>
        %sub3A_114 = arith.subi %get3A_112, %sub3A_113 : vector<16xi32>
        %ge3A = arith.constant 0 : i32
        %ge3A_115 = vector.broadcast %ge3A : i32 to vector<16xi32>
        %ge3A_116 = arith.cmpi sge, %sub3A_114, %ge3A_115 : vector<16xi32>
        %lt3A_117 = arith.constant 4096 : i32
        %lt3A_118 = vector.broadcast %lt3A_117 : i32 to vector<16xi32>
        %lt3A_119 = arith.cmpi slt, %sub3A_114, %lt3A_118 : vector<16xi32>
        %and3A_120 = arith.andi %ge3A_116, %lt3A_119 : vector<16xi1>
        %jit3A_121 = arith.constant 0 : i32
        %jit3A_122 = arith.constant 4095 : i32
        %max3A = vector.broadcast %jit3A_121 : i32 to vector<16xi32>
        %max3A_123 = arith.maxsi %max3A, %sub3A_114 : vector<16xi32>
        %min3A = vector.broadcast %jit3A_122 : i32 to vector<16xi32>
        %min3A_124 = arith.minsi %min3A, %max3A_123 : vector<16xi32>
        tpu.vector_store_idx %arg8[%min3A_124], %add3A_109 masked %and3A_120 : memref<4096xi32, #tpu.memory_space<vmem>>[vector<16xi32>], vector<16xi32>, vector<16xi1>
        %scan3A_125 = arith.constant 0 : i32
        scf.yield %scan3A_125 : i32
      }
      %scan3A_99 = arith.constant 512 : i32
      %scan3A_100 = arith.constant 0 : i32
      scf.yield %scan3A_100 : i32
    }
    %scan3A_81 = arith.constant 4 : i32
    %scan3A_82 = arith.constant 0 : i32
    %scan3A_83 = arith.constant 0 : i32
    %scan3A_84 = arith.constant 4 : i32
    %scan3A_85 = arith.addi %scan3A_83, %scan3A_84 : i32
    %scan3A_86 = arith.constant 1 : i32
    %scan3A_87 = scf.for %scan3A_89 = %scan3A_83 to %scan3A_85 step %scan3A_86 iter_args(%scan3A_90 = %scan3A_82) -> (i32)  : i32 {
      %mul3A_91 = arith.constant 8192 : i32
      %mul3A_92 = arith.muli %scan3A_89, %mul3A_91 : i32
      %run_scoped3A = arith.constant 5 : i32
      "tpu.region"() ({
        %run_scoped3A_101 = tpu.sem_alloc : memref<!tpu.dma_semaphore, #tpu.memory_space<semaphore_mem>>
        %dma_start3A = tpu.memref_slice %arg4[%run_scoped3A, %select_n3A, %mul3A_92] : memref<6x16x32768xi32, #tpu.memory_space<hbm>> -> memref<1x1x8192xi32, #tpu.memory_space<hbm>>
        %dma_start3A_102 = tpu.memref_squeeze %dma_start3A : memref<1x1x8192xi32, #tpu.memory_space<hbm>> -> memref<8192xi32, #tpu.memory_space<hbm>>
        %dma_start3A_103 = tpu.memref_slice %arg4[%run_scoped3A, %select_n3A, %mul3A_92] : memref<6x16x32768xi32, #tpu.memory_space<hbm>> -> memref<1x1x8192xi32, #tpu.memory_space<hbm>>
        %dma_start3A_104 = tpu.memref_squeeze %dma_start3A_103 : memref<1x1x8192xi32, #tpu.memory_space<hbm>> -> memref<8192xi32, #tpu.memory_space<hbm>>
        tpu.enqueue_dma source(%dma_start3A_104 : memref<8192xi32, #tpu.memory_space<hbm>>) target(%arg6 : memref<8192xi32, #tpu.memory_space<vmem>>) target_semaphore(%run_scoped3A_101 : memref<!tpu.dma_semaphore, #tpu.memory_space<semaphore_mem>>)
        %dma_wait3A = tpu.memref_slice %arg4[%run_scoped3A, %select_n3A, %mul3A_92] : memref<6x16x32768xi32, #tpu.memory_space<hbm>> -> memref<1x1x8192xi32, #tpu.memory_space<hbm>>
        %dma_wait3A_105 = tpu.memref_squeeze %dma_wait3A : memref<1x1x8192xi32, #tpu.memory_space<hbm>> -> memref<8192xi32, #tpu.memory_space<hbm>>
        %dma_wait3A_106 = tpu.memref_slice %arg4[%run_scoped3A, %select_n3A, %mul3A_92] : memref<6x16x32768xi32, #tpu.memory_space<hbm>> -> memref<1x1x8192xi32, #tpu.memory_space<hbm>>
        %dma_wait3A_107 = tpu.memref_squeeze %dma_wait3A_106 : memref<1x1x8192xi32, #tpu.memory_space<hbm>> -> memref<8192xi32, #tpu.memory_space<hbm>>
        tpu.wait_dma2 semaphore(%run_scoped3A_101 : memref<!tpu.dma_semaphore, #tpu.memory_space<semaphore_mem>>) src(%dma_wait3A_107 : memref<8192xi32, #tpu.memory_space<hbm>>) dst(%arg6 : memref<8192xi32, #tpu.memory_space<vmem>>)
        tpu.yield
      }) : () -> ()
      %scan3A_93 = arith.constant 0 : i32
      %scan3A_94 = arith.constant 0 : i32
      %scan3A_95 = arith.constant 512 : i32
      %scan3A_96 = arith.addi %scan3A_94, %scan3A_95 : i32
      %scan3A_97 = arith.constant 1 : i32
      %scan3A_98 = scf.for %scan3A_101 = %scan3A_94 to %scan3A_96 step %scan3A_97 iter_args(%scan3A_102 = %scan3A_93) -> (i32)  : i32 {
        %mul3A_103 = arith.constant 8192 : i32
        %mul3A_104 = arith.muli %scan3A_89, %mul3A_103 : i32
        %mul3A_105 = arith.constant 16 : i32
        %mul3A_106 = arith.muli %scan3A_101, %mul3A_105 : i32
        %add3A_107 = arith.addi %mul3A_104, %mul3A_106 : i32
        %add3A_108 = vector.broadcast %add3A_107 : i32 to vector<16xi32>
        %add3A_109 = arith.addi %add3A_108, %iota3A : vector<16xi32>
        %mul3A_110 = arith.constant 16 : i32
        %mul3A_111 = arith.muli %scan3A_101, %mul3A_110 : i32
        %get3A = arith.index_cast %mul3A_111 : i32 to index
        %get3A_112 = tpu.vector_load %arg6[%get3A] {strides = array<i32>} : memref<8192xi32, #tpu.memory_space<vmem>>, vector<16xi32>,
        %sub3A_113 = vector.broadcast %mul3A_32 : i32 to vector<16xi32>
        %sub3A_114 = arith.subi %get3A_112, %sub3A_113 : vector<16xi32>
        %ge3A = arith.constant 0 : i32
        %ge3A_115 = vector.broadcast %ge3A : i32 to vector<16xi32>
        %ge3A_116 = arith.cmpi sge, %sub3A_114, %ge3A_115 : vector<16xi32>
        %lt3A_117 = arith.constant 4096 : i32
        %lt3A_118 = vector.broadcast %lt3A_117 : i32 to vector<16xi32>
        %lt3A_119 = arith.cmpi slt, %sub3A_114, %lt3A_118 : vector<16xi32>
        %and3A_120 = arith.andi %ge3A_116, %lt3A_119 : vector<16xi1>
        %jit3A_121 = arith.constant 0 : i32
        %jit3A_122 = arith.constant 4095 : i32
        %max3A = vector.broadcast %jit3A_121 : i32 to vector<16xi32>
        %max3A_123 = arith.maxsi %max3A, %sub3A_114 : vector<16xi32>
        %min3A = vector.broadcast %jit3A_122 : i32 to vector<16xi32>
        %min3A_124 = arith.minsi %min3A, %max3A_123 : vector<16xi32>
        tpu.vector_store_idx %arg8[%min3A_124], %add3A_109 masked %and3A_120 : memref<4096xi32, #tpu.memory_space<vmem>>[vector<16xi32>], vector<16xi32>, vector<16xi1>
        %scan3A_125 = arith.constant 0 : i32
        scf.yield %scan3A_125 : i32
      }
      %scan3A_99 = arith.constant 512 : i32
      %scan3A_100 = arith.constant 0 : i32
      scf.yield %scan3A_100 : i32
    }
    %scan3A_88 = arith.constant 4 : i32
    "tpu.region"() ({
      %run_scoped3A = tpu.sem_alloc : memref<!tpu.dma_semaphore, #tpu.memory_space<semaphore_mem>>
      %dma_start3A = tpu.memref_slice %arg5[%select_n3A, %mul3A_32] : memref<16x8192xi32, #tpu.memory_space<hbm>> -> memref<1x4096xi32, #tpu.memory_space<hbm>>
      %dma_start3A_89 = tpu.memref_squeeze %dma_start3A : memref<1x4096xi32, #tpu.memory_space<hbm>> -> memref<4096xi32, #tpu.memory_space<hbm>>
      %dma_start3A_90 = tpu.memref_slice %arg5[%select_n3A, %mul3A_32] : memref<16x8192xi32, #tpu.memory_space<hbm>> -> memref<1x4096xi32, #tpu.memory_space<hbm>>
      %dma_start3A_91 = tpu.memref_squeeze %dma_start3A_90 : memref<1x4096xi32, #tpu.memory_space<hbm>> -> memref<4096xi32, #tpu.memory_space<hbm>>
      tpu.enqueue_dma source(%arg8 : memref<4096xi32, #tpu.memory_space<vmem>>) target(%dma_start3A_91 : memref<4096xi32, #tpu.memory_space<hbm>>) target_semaphore(%run_scoped3A : memref<!tpu.dma_semaphore, #tpu.memory_space<semaphore_mem>>)
      %dma_wait3A = tpu.memref_slice %arg5[%select_n3A, %mul3A_32] : memref<16x8192xi32, #tpu.memory_space<hbm>> -> memref<1x4096xi32, #tpu.memory_space<hbm>>
      %dma_wait3A_92 = tpu.memref_squeeze %dma_wait3A : memref<1x4096xi32, #tpu.memory_space<hbm>> -> memref<4096xi32, #tpu.memory_space<hbm>>
      %dma_wait3A_93 = tpu.memref_slice %arg5[%select_n3A, %mul3A_32] : memref<16x8192xi32, #tpu.memory_space<hbm>> -> memref<1x4096xi32, #tpu.memory_space<hbm>>
      %dma_wait3A_94 = tpu.memref_squeeze %dma_wait3A_93 : memref<1x4096xi32, #tpu.memory_space<hbm>> -> memref<4096xi32, #tpu.memory_space<hbm>>
      tpu.wait_dma2 semaphore(%run_scoped3A : memref<!tpu.dma_semaphore, #tpu.memory_space<semaphore_mem>>) src(%arg8 : memref<4096xi32, #tpu.memory_space<vmem>>) dst(%dma_wait3A_94 : memref<4096xi32, #tpu.memory_space<hbm>>)
      tpu.yield
    }) : () -> ()
    return
  }
}

module attributes {stable_mosaic.version = 14 : i64} {
  func.func @_mm_body(%arg0: i32, %arg1: i32, %arg2: memref<128x128xf32, #tpu.memory_space<vmem>>, %arg3: memref<1x128x2048xf32, #tpu.memory_space<vmem>>, %arg4: memref<1x128x2048xf32, #tpu.memory_space<vmem>>) attributes {dimension_semantics = [#tpu.dimension_semantics<arbitrary>, #tpu.dimension_semantics<arbitrary>], iteration_bounds = array<i64: 16, 4>, scalar_prefetch = 0 : i64, scratch_operands = 0 : i64, tpu.core_type = #tpu.core_type<tc>, window_params = [{pipeline_mode = #tpu.pipeline_mode<synchronous>, transform_indices = @transform_0, window_bounds = array<i64: 128, 128>}, {transform_indices = @transform_1, window_bounds = array<i64: 1, 128, 2048>}, {transform_indices = @transform_2, window_bounds = array<i64: 1, 128, 2048>}]} {
    %get3A = arith.constant 0 : index
    %get3A_0 = arith.constant 0 : index
    %get3A_1 = vector.load %arg2[%get3A, %get3A_0] : memref<128x128xf32, #tpu.memory_space<vmem>>, vector<128x128xf32>
    %get3A_2 = arith.constant 0 : index
    %get3A_3 = arith.constant 0 : index
    %get3A_4 = arith.constant 0 : index
    %get3A_5 = vector.load %arg3[%get3A_2, %get3A_3, %get3A_4] : memref<1x128x2048xf32, #tpu.memory_space<vmem>>, vector<1x128x2048xf32>
    %get3A_6 = vector.shape_cast %get3A_5 : vector<1x128x2048xf32> to vector<128x2048xf32>
    %dot_general3A = arith.constant dense<0.000000e+00> : vector<128x2048xf32>
    %dot_general3A_7 = tpu.matmul %get3A_1, %get3A_6, %dot_general3A {dimension_numbers = #tpu.dot_dimension_numbers<[1], [0], [0], [1], [0, 0, 1, 1], [], []>, transpose_lhs_hint = false} : vector<128x128xf32>, vector<128x2048xf32>, vector<128x2048xf32> -> vector<128x2048xf32>
    %swap3A = arith.constant 0 : index
    %swap3A_8 = arith.constant 0 : index
    %swap3A_9 = arith.constant 0 : index
    %swap3A_10 = vector.load %arg4[%swap3A, %swap3A_8, %swap3A_9] : memref<1x128x2048xf32, #tpu.memory_space<vmem>>, vector<1x128x2048xf32>
    %swap3A_11 = vector.shape_cast %swap3A_10 : vector<1x128x2048xf32> to vector<128x2048xf32>
    %swap3A_12 = vector.shape_cast %dot_general3A_7 : vector<128x2048xf32> to vector<1x128x2048xf32>
    tpu.vector_store %arg4[%swap3A, %swap3A_8, %swap3A_9], %swap3A_12 {strides = array<i32>} : memref<1x128x2048xf32, #tpu.memory_space<vmem>>, vector<1x128x2048xf32>,
    return
  }
  func.func @transform_0(%arg0: i32, %arg1: i32) -> (i32, i32) {
    %c0_i32 = arith.constant 0 : i32
    %c0_i32_0 = arith.constant 0 : i32
    %c0_i32_1 = arith.constant 0 : i32
    return %c0_i32, %c0_i32_0 : i32, i32
  }
  func.func @transform_1(%arg0: i32, %arg1: i32) -> (i32, i32, i32) {
    %c0_i32 = arith.constant 0 : i32
    %c0_i32_0 = arith.constant 0 : i32
    return %arg0, %c0_i32, %arg1 : i32, i32, i32
  }
  func.func @transform_2(%arg0: i32, %arg1: i32) -> (i32, i32, i32) {
    %c0_i32 = arith.constant 0 : i32
    %c0_i32_0 = arith.constant 0 : i32
    return %arg0, %c0_i32, %arg1 : i32, i32, i32
  }
}

</mosaic_0001>

<sc_bundles>
// kernel: gather_offload_async_start
scs
__scs_entry_jumppad:
0x0: {  	(pc) =	sbr.rel $0x88, $3  }
0x1: {  	(tag) =	ssettag $0x0;
	lr =	simm.s32 $0x1  }
0x2: {  	[smem:$0x3F9D] =	sst lr;
	_ =	strace $0xD0000000  }
0x3: {  	_ = 	snop  }
0x4: {  	_ = 	snop  }
0x5: {  	_ = 	snop  }
0x6: {  	_ = 	snop  }
0x7: {  	_ = 	snop  }
__scs_overlays_trampoline_lowered:
0x8: {  	[smem:$0x3FAC] =	sst s0  }
0x9: {  	[smem:$0x3FAD] =	sst s1  }
0xa: {  	[smem:$0x3FAE] =	sst s2  }
0xb: {  	[smem:$0x3FAF] =	sst s3  }
0xc: {  	[smem:$0x3FB0] =	sst s4  }
0xd: {  	[smem:$0x3FB1] =	sst s5  }
0xe: {  	[smem:$0x3FB2] =	sst s6  }
0xf: {  	[smem:$0x3FB3] =	sst s7  }
0x10: {  	[smem:$0x3FB4] =	sst s8  }
0x11: {  	[smem:$0x3FB5] =	sst s9;
	s0 =	simm.s32 @!p0 $0x0  }
0x12: {  	s1 =	sld [smem:$0x3F9B];
	s0 =	simm.s32 @p0 $0x1  }
0x13: {  	[smem:$0x3FB6] =	sst s0;
	s0 =	simm.s32 @!p1 $0x0  }
0x14: {  	s2 =	sld [smem:$0x3F9A];
	s0 =	simm.s32 @p1 $0x1  }
0x15: {  	[smem:$0x3FB7] =	sst s0;
	s0 =	simm.s32 @!p2 $0x0  }
0x16: {  	s3 =	sld [smem:$0x3FDB];
	s0 =	simm.s32 @p2 $0x1  }
0x17: {  	s4 =	simm.s32 $0x1BF5;
	[smem:$0x3FB9] =	sst s0  }
0x18: {  	s0 =	sld [smem:$0x3F9C];
	_ =	swait.ge [sflag:s4], $0x0  }
0x19: {  	s7 =	sld [smem:$0x3F9D]  }
0x1a: {  	s8 =	sadd.s32 $0xFFFFE003, lr  }
0x1b: {  	s9 =	sadd.s32 $0xFFFFFEF7, lr;
	s5 =	simm.s32 $0xFFFFFFFF;
	p2 =	slt.u32 s8, $0xFFFFF086  }
0x1c: {  	p1 =	slt.u32 s9, $0xF7A;
	s5 =	simm.s32 @!p2 $0x0  }
0x1d: {  	s5 =	simm.s32 @p1 $0x1;
	p0 =	seq.s32 s7, s2  }
0x1e: {  	s7 =	smul.u32 @!p0 $0xF7A, s2;
	p2 =	seq.s32 @!p0 s5, $0x0  }
0x1f: {  	s9 =	smul.u32 $0xF7A, s1;
	s8 =	simm.s32 @!p0 $0x1BF5;
	p2 =	por !p2, p0  }
0x20: {  	[sflag:s8] =	ssyncset.s32 @!p0 $0xFFFFF086;
	s6 =	sadd.s32 @!p0 s3, s7;
	s7 =	simm.s32 @!p0 $0x108  }
0x21: {  	s3 =	sadd.s32 s3, s9;
	s6 =	sadd.s32 @!p0 $0x88, s6;
	s7 =	simm.s32 @p2 $0x1082  }
0x22: {  	[simem:s7], [sflag:s8] =	dma.local @!p0 [hbm:s6], $0xF7A  }
0x23: {  	s9 =	sor.u32 $0xD0000000, s2;
	s6 =	simm.s32 $0x108;
	_ =	swait.ge @!p0 [sflag:s8], $0x0  }
0x24: {  	s3 =	sadd.s32 $0x88, s3;
	s6 =	simm.s32 @!p1 $0x1082;
	[sflag:s4] =	ssyncset.s32 $0xFFFFF086  }
0x25: {  	[simem:s6], [sflag:s4] =	dma.local [hbm:s3], $0xF7A  }
0x26: {  	[smem:$0x3F9D] =	sst s1;
	(tag) =	ssettag s2;
	_ =	strace s9  }
0x27: {  	s1 =	sld [smem:$0x3FAD]  }
0x28: {  	s2 =	sld [smem:$0x3FAE]  }
0x29: {  	s4 =	sld [smem:$0x3FB0]  }
0x2a: {  	p0 =	seq.s32 s5, $0x0;
	s5 =	sld [smem:$0x3FB1]  }
0x2b: {  	s6 =	sld [smem:$0x3FB2]  }
0x2c: {  	s7 =	sld [smem:$0x3FB3]  }
0x2d: {  	s3 =	simm.s32 $0x108;
	s8 =	sld [smem:$0x3FB4]  }
0x2e: {  	s3 =	simm.s32 @!p0 $0x1082;
	s9 =	sld [smem:$0x3FB5]  }
0x2f: {  	lr =	sadd.s32 s0, s3;
	s0 =	sld [smem:$0x3FAC]  }
0x30: {  	s3 =	sld [smem:$0x3FAF]  }
0x31: {  	[smem:$0x3FB8] =	sst s10  }
0x32: {  	s10 =	sld [smem:$0x3FB6];
	_ =	sdelay $0x3  }
0x33: {  	p0 =	seq.s32 s10, $0x1;
	s10 =	sld [smem:$0x3FB8];
	_ =	sdelay $0x3  }
0x34: {  	[smem:$0x3FB8] =	sst s10  }
0x35: {  	s10 =	sld [smem:$0x3FB7];
	_ =	sdelay $0x3  }
0x36: {  	p1 =	seq.s32 s10, $0x1;
	s10 =	sld [smem:$0x3FB8];
	_ =	sdelay $0x3  }
0x37: {  	[smem:$0x3FB8] =	sst s10  }
0x38: {  	s10 =	sld [smem:$0x3FB9]  }
0x39: {  	_ = 	snop;
	(pc) =	sbr.ind lr, $3  }
0x3a: {  	_ = 	snop  }
0x3b: {  	_ = 	snop  }
0x3c: {  	p2 =	seq.s32 s10, $0x1;
	s10 =	sld [smem:$0x3FB8]  }
0x3d: {  	_ =	shalt  }
0x3e: {  	_ =	shalt  }
0x3f: {  	_ =	shalt  }
0x40: {  	_ =	shalt  }
0x41: {  	_ =	shalt  }
0x42: {  	_ =	shalt  }
0x43: {  	_ =	shalt  }
0x44: {  	_ =	shalt  }
0x45: {  	_ =	shalt  }
0x46: {  	_ =	shalt  }
0x47: {  	_ =	shalt  }
0x48: {  	_ =	shalt  }
0x49: {  	_ =	shalt  }
0x4a: {  	_ =	shalt  }
0x4b: {  	_ =	shalt  }
0x4c: {  	_ =	shalt  }
0x4d: {  	_ =	shalt  }
0x4e: {  	_ =	shalt  }
0x4f: {  	_ =	shalt  }
0x50: {  	_ =	shalt  }
0x51: {  	_ =	shalt  }
0x52: {  	_ =	shalt  }
0x53: {  	_ =	shalt  }
0x54: {  	_ =	shalt  }
0x55: {  	_ =	shalt  }
0x56: {  	_ =	shalt  }
0x57: {  	_ =	shalt  }
0x58: {  	_ =	shalt  }
0x59: {  	_ =	shalt  }
0x5a: {  	_ =	shalt  }
0x5b: {  	_ =	shalt  }
0x5c: {  	_ =	shalt  }
0x5d: {  	_ =	shalt  }
0x5e: {  	_ =	shalt  }
0x5f: {  	_ =	shalt  }
0x60: {  	_ =	shalt  }
0x61: {  	_ =	shalt  }
0x62: {  	_ =	shalt  }
0x63: {  	_ =	shalt  }
0x64: {  	_ =	shalt  }
0x65: {  	_ =	shalt  }
0x66: {  	_ =	shalt  }
0x67: {  	_ =	shalt  }
0x68: {  	_ =	shalt  }
0x69: {  	_ =	shalt  }
0x6a: {  	_ =	shalt  }
0x6b: {  	_ =	shalt  }
0x6c: {  	_ =	shalt  }
0x6d: {  	_ =	shalt  }
0x6e: {  	_ =	shalt  }
0x6f: {  	_ =	shalt  }
0x70: {  	_ =	shalt  }
0x71: {  	_ =	shalt  }
0x72: {  	_ =	shalt  }
0x73: {  	_ =	shalt  }
0x74: {  	_ =	shalt  }
0x75: {  	_ =	shalt  }
0x76: {  	_ =	shalt  }
0x77: {  	_ =	shalt  }
0x78: {  	_ =	shalt  }
0x79: {  	_ =	shalt  }
0x7a: {  	_ =	shalt  }
0x7b: {  	_ =	shalt  }
0x7c: {  	_ =	shalt  }
0x7d: {  	_ =	shalt  }
0x7e: {  	_ =	shalt  }
0x7f: {  	_ =	shalt  }
0x80: {  	_ =	shalt  }
0x81: {  	_ =	shalt  }
0x82: {  	_ =	shalt  }
0x83: {  	_ =	shalt  }
0x84: {  	_ =	shalt  }
0x85: {  	_ =	shalt  }
0x86: {  	_ =	shalt  }
0x87: {  	_ =	shalt  }
.Lfunc_end0:
.L_simem_size_0:
called_computation.2_lowered:
.L_overlay_start_0:
0x88: {  	s2 =	sld [smem:$0x3FD9]  }
0x89: {  	s3 =	sld [smem:$0x3FFE];
	_ =	sdelay $0x1  }
0x8a: {  	s1 =	srdreg.scid  }
0x8b: {  	s0 =	sand.u32 $0x1, s1  }
0x8c: {  	s17 =	sshll.u32 s0, $0xA;
	s2 =	sadd.s32 s3, s2  }
0x8d: {  	s2 =	sadd.s32 s2, s17  }
0x8e: {  	[smem:$0x3FC4] =	sst s2  }
0x8f: {  	_ = 	snop  }
0x90: {  	s2 =	sld [smem:$0x3FC9];
	(tm) =	ssettm $0x1  }
0x91: {  	s18 =	sld [smem:$0x3FFB];
	_ =	sdelay $0x3  }
0x92: {  	_ =	strace s18  }
0x93: {  	s3 =	sld [smem:$0x3FFC];
	_ =	sdelay $0x3  }
0x94: {  	_ =	strace s3  }
0x95: {  	s3 =	sld [smem:$0x3FFD];
	_ =	sdelay $0x3  }
0x96: {  	_ =	strace s3  }
0x97: {  	_ =	strace $0x8FFFFFFF  }
0x98: {  	s19 =	sld [smem:$0x3FDB];
	_ =	sdelay $0x1  }
0x99: {  	s4 =	simm.s32 $_scs_section_size  }
0x9a: {  	s5 =	simm.s32 $_size__tile_overlayer_lowered;
	s6 =	simm.s32 $_tile_overlayer_lowered  }
0x9b: {  	s22 =	simm.s32 $0x1BFF;
	s21 =	sshll.u32 s6, $0x1;
	s3 =	sadd.s32 s4, s19  }
0x9c: {  	s7 =	simm.s32 $0x0;
	s20 =	sshll.u32 s5, $0x1;
	s5 =	sadd.s32 s21, s3  }
0x9d: {  	[timem:s7], [sflag:s22] =	dma.local [hbm:s5], s20  }
0x9e: {  	_ =	swait.ge [sflag:s22], s20  }
0x9f: {  	s4 =	ssub.s32 $0x0, s20;
	[sflag:s22] =	ssyncset.done $0x0  }
0xa0: {  	[sflag:s22] =	ssyncadd.s32 s4;
	_ =	sdelay $0x1  }
0xa1: {  	s23 =	simm.s32 $0x1B8B  }
0xa2: {  	_ =	swait.ge [sflag:s23], $0x1  }
0xa3: {  	[sflag:s23] =	ssyncset.done $0x0  }
0xa4: {  	s25 =	simm.s32 $0x1B8E;
	s24 =	sld [smem:$0x3FFE];
	[sflag:s23] =	ssyncadd.s32 $0xFFFFFFFF  }
0xa5: {  	s26 =	simm.s32 $execute0_lowered;
	[smem:$0x3FD2] =	sst s25  }
0xa6: {  	s5 =	sshll.u32 s26, $0x1;
	_ =	strace $0x8000004F;
	[dreg:$0x1] =	wrdreg $0xFFFFFFFF  }
0xa7: {  	s28 =	simm.s32 $_size_execute0_lowered;
	s3 =	sadd.s32 s3, s5;
	[dreg:$0x0] =	wrdreg $0x0  }
0xa8: {  	s5 =	sshll.u32 s28, $0x1;
	[dreg:$0x2] =	wrdreg s3  }
0xa9: {  	[dreg:$0x3] =	wrdreg s5  }
0xaa: {  	[dreg:$0x4] =	wrdreg $0xC0  }
0xab: {  	_ =	task [dreg:s7], $0x5FFFF  }
0xac: {  	[dreg:$0x1] =	wrdreg $0xFFFFFFFF  }
0xad: {  	[dreg:$0x0] =	wrdreg $0x60  }
0xae: {  	[dreg:$0x2] =	wrdreg s2  }
0xaf: {  	[dreg:$0x3] =	wrdreg s24  }
0xb0: {  	[dreg:$0x4] =	wrdreg $0x9  }
0xb1: {  	_ =	task.clear_ibuf [dreg:s7], $0x5FFFF;
	_ =	strace $0x9000004F  }
0xb2: {  	s29 =	simm.s32 $0x9;
	_ =	strace $0x80000051  }
0xb3: {  	_ =	swait.ge [sflag:s29], $0x1  }
0xb4: {  	[sflag:s29] =	ssyncadd.s32 $0xFFFFFFFF  }
0xb5: {  	_ =	strace $0x90000051  }
0xb6: {  	_ =	sfence  }
0xb7: {  	s30 =	sld [smem:$0x0];
	_ =	sdelay $0x2  }
0xb8: {  	s31 =	sshll.u32 s1, $0xD;
	s1 =	sshrl.u32 s1, $0x2  }
0xb9: {  	s3 =	sand.u32 $0x4000, s31;
	s1 =	sadd.s32 s1, s30  }
0xba: {  	s0 =	sor.u32 s3, s0;
	s1 =	sshll.u32 s1, $0x11  }
0xbb: {  	s0 =	sor.u32 s1, s0  }
0xbc: {  	s0 =	sadd.s32 $0x8F2B, s0  }
0xbd: {  	[sflag:s0] =	ssyncadd.remote.s32 $0x1  }
0xbe: {  	_ =	sfence.sel $0xFFFF  }
0xbf: {  	[dreg:$0x0] =	wrdreg $0xFFFFFFFF;
	(pc) =	sbr.abs _section_cstart, $3  }
0xc0: {  	[dreg:$0x1] =	wrdreg $0xFFFFFFFF  }
0xc1: {  	_ =	task.clear_ibuf [dreg:s7], $0x2FFFF;
	_ =	strace $0x9FFFFFFF  }
0xc2: {  	(tm) =	ssettm $0x7FFFFFFF  }
0xc3: {  	_ =	shalt  }
tec
execute0_lowered:
.L_overlay_start_1:
0x0: {  	(tag) =	ssettag $0x1  }
0x1: {  	s1 =	srdreg.scid;
	s2 =	rddreg [dreg:$0x0]  }
0x2: {  	s0 =	stileid.u32;
	s5 =	rddreg [dreg:$0x1];
	s6 =	simm.s32 $0x1  }
0x3: {  	s9 =	simm.s32 $0x1;
	s10 =	simm.s32 $0x3;
	s1 =	sshll.u32 s1, $0xF  }
0x4: {  	s13 =	simm.s32 $0x0;
	s3 =	sshll.u32 s0, $0x10;
	s4 =	sand.u32 $0x8000, s1  }
0x5: {  	s12 =	simm.s32 $0x0;
	s1 =	rddreg [dreg:$0x2];
	s3 =	sor.u32 s3, s4  }
0x6: {  	_ =	strace $0x80000050;
	s4 =	sadd.s32 $0x9000, s5;
	s8 =	ssub.s32 $0x1000000, s3  }
.Ltmp0:
0x7: {  	s5 =	sadd.s32 $0x209000, s5;
	s7 =	sand.u32 $0xF8000, s8;
	(pc) =	sbr.rel .LBB2_1-.Ltmp0, $4  }
0x8: {  	[sflag:s6] =	ssyncpa.u1 $0x0;
	s11 =	smov.u32 s3;
	p0 =	sne.s32 s7, $0x0  }
0x9: {  	s8 =	sshrl.u32 s8, $0x14;
	s7 =	simm.s32 $0x2;
	s9 =	simm.s32 @!p0 $0x0  }
0xa: {  	[sflag:s7] =	ssyncpa.u1 $0x0;
	p0 =	por $0x0, $0x0;
	s8 =	sadd.s32 s9, s8  }
0xb: {  	vm0 =	vmmov $0xffff;
	[sflag:s10] =	ssyncpa.u1 $0x0;
	s10 =	simm.s32 $0x0;
	s9 =	sadd.s32 $0x1, s8  }
.LBB2_4:
0xc: {  	v3 =	vshrl.u32 v0, $0x4;
	v4 =	vshrl.u32 v0, $0xB;
	v1 =	vor.u32 v1, v2  }
0xd: {  	v61 =	vshll.u32 v0, $0x16;
	v59 =	vand.u32 $0x7F, v3;
	v60 =	vand.u32 $0x7FFF, v4  }
0xe: {  	v0 =	vand.u32 $0x3C00000, v61;
	v2 =	vsel vm1, $0xFFFFFFFF, v59;
	v3 =	vsel vm1, $0xFFFFFFFF, v60  }
0xf: {  	v0 =	vsel vm1, $0xFFC00000, v0;
	v62 =	vand.u32 $0x7F, v3;
	v5 =	vshll.u32 v2, $0xF  }
0x10: {  	v3 =	vshll.u32 v3, $0x3;
	v5 =	vand.u32 $0xFFFC0000, v5;
	v0 =	vor.u32 v0, v62  }
0x11: {  	v2 =	vshll.u32 v2, $0x7;
	v3 =	vand.u32 $0xFFFFFC00, v3;
	v0 =	vadd.s32 v5, v0  }
0x12: {  	v2 =	vand.u32 $0x380, v2;
	v0 =	vadd.s32 v3, v0  }
0x13: {  	v0 =	vor.u32 v2, v0;
	_ =	sdelay $0x1  }
0x14: {  	(ifvalue) =	ssetifvalue $0x7FFFFFFF;
	s14 =	sadd.s32 $0x10, s14  }
0x15: {  	[tilespmem:s14], [sflag:$0x1] =	stream.indirect_vreg.gather [hbm4b:s2+s10], $0x1, v1, vm0, $0x4038;
	v63 =	vld [tilespmem:$0x0]  }
0x16: {  	(ifvalue) =	ssetifvalue $0x7FFFFFFF;
	s14 =	sadd.s32 $0x10, s14  }
0x17: {  	[tilespmem:s14], [sflag:$0x1] =	stream.indirect_vreg.gather [hbm4b:s2+s10], $0x1, v0, vm0, $0x4038;
	v63 =	vld [tilespmem:$0x0]  }
0x18: {  	_ =	swait.ge [sflag:s6], $0x8000  }
0x19: {  	s30 =	sshrl.u32 s13, $0x3;
	[sflag:s6] =	ssyncset.done $0x0  }
0x1a: {  	s31 =	sand.u32 $0x7, s13;
	s14 =	sadd.s32 s5, s30;
	[sflag:s6] =	ssyncadd.s32 $0xFFFF8000  }
0x1b: {  	[hbm4b:s14+s31] =	stream.linear.scatter [tilespmem:s15], [sflag:$0x3], $0x8000, $0x38;
	v63 =	vld [tilespmem:$0x0]  }
.LBB2_5:
0x1c: {  	s15 =	sadd.s32 $0x100000, s11  }
0x1d: {  	p2 =	sgt.s32 s15, $0xFFFFFF  }
0x1e: {  	s15 =	smov.u32 @p2 s3;
	p2 =	sne.s32 s12, s9  }
.Ltmp1:
0x1f: {  	p1 =	slt.u32 s12, $0x2;
	(pc) =	sbr.rel @!p2 .LBB2_6-.Ltmp1, $4  }
0x20: {  	s14 =	simm.s32 @!p1 $0x3  }
0x21: {  	s16 =	sadd.s32 $0x1, s12;
	_ =	swait.ge @!p1 [sflag:s14], $0x8000  }
0x22: {  	s13 =	smov.u32 s11;
	p0 =	por !p0, !p0;
	[sflag:s14] =	ssyncset.done @!p1 $0x0  }
0x23: {  	s12 =	smov.u32 s16;
	s11 =	smov.u32 s15;
	[sflag:s14] =	ssyncadd.s32 @!p1 $0xFFFF8000  }
.LBB2_1:
0x24: {  	p1 =	sge.u32 s12, s8  }
0x25: {  	s14 =	sxor.u32 @!p1 $0xFFFFFFFF, s12  }
0x26: {  	s31 =	sadd.s32 $0xFFFFFFFF, s12;
	s15 =	sshrl.u32 @!p1 s11, $0x3;
	s14 =	sshll.u32 @!p1 s14, $0xF  }
0x27: {  	s16 =	sand.u32 @!p1 $0x7, s11;
	s15 =	sadd.s32 @!p1 s4, s15;
	s14 =	sand.u32 @!p1 $0x8000, s14  }
0x28: {  	[tilespmem:s14], [sflag:$0x2] =	stream.linear.gather @!p1 [hbm4b:s15+s16], $0x8000, $0x38;
	v63 =	vld [tilespmem:$0x0]  }
0x29: {  	p1 =	sge.u32 s31, s8  }
.Ltmp2:
0x2a: {  	_ = 	snop;
	(pc) =	sbr.rel @p1 .LBB2_5-.Ltmp2, $1  }
0x2b: {  	_ =	sdelay $0x3  }
0x2c: {  	s14 =	simm.s32 $0x1  }
0x2d: {  	_ =	swait.ge [sflag:s7], $0x8000;
	s14 =	simm.s32 @!p0 $0x0  }
0x2e: {  	[sflag:s7] =	ssyncset.done $0x0;
	s14 =	sshll.u32 s14, $0xF  }
0x2f: {  	[sflag:s7] =	ssyncadd.s32 $0xFFFF8000;
	(ifvalue) =	ssetifvalue $0x7FFFFFFF;
	v0 =	vld.msk [tilespmem:s14+$0x0 ss:$0x1], $0xffff;
	_ =	sdelay $0x4  }
0x30: {  	s15 =	sadd.s32 $0x10, s14;
	vm1 =	veq.s32 v0, $0x80000000;
	v1 =	vshrl.u32 v0, $0x4;
	v2 =	vshrl.u32 v0, $0xB  }
0x31: {  	v3 =	vld.msk [tilespmem:s15+$0x0 ss:$0x1], $0xffff;
	v0 =	vshll.u32 v0, $0x16;
	v1 =	vand.u32 $0x7F, v1;
	v2 =	vand.u32 $0x7FFF, v2  }
0x32: {  	v0 =	vand.u32 $0x3C00000, v0;
	v1 =	vsel vm1, $0xFFFFFFFF, v1;
	v2 =	vsel vm1, $0xFFFFFFFF, v2  }
0x33: {  	v0 =	vsel vm1, $0xFFC00000, v0;
	v4 =	vand.u32 $0x7F, v2;
	v5 =	vshll.u32 v1, $0xF  }
0x34: {  	v2 =	vshll.u32 v2, $0x3;
	v5 =	vand.u32 $0xFFFC0000, v5;
	v0 =	vor.u32 v0, v4  }
0x35: {  	v1 =	vshll.u32 v1, $0x7;
	v2 =	vand.u32 $0xFFFFFC00, v2;
	v0 =	vadd.s32 v5, v0  }
0x36: {  	v61 =	vshrl.u32 v3, $0xB;
	v1 =	vand.u32 $0x380, v1;
	v0 =	vadd.s32 v2, v0  }
0x37: {  	s17 =	sadd.s32 $0x10, s15;
	vm1 =	veq.s32 v3, $0x80000000;
	v2 =	vshrl.u32 v3, $0x4;
	v1 =	vor.u32 v1, v0  }
0x38: {  	v4 =	vand.u32 $0x7FFF, v61;
	v3 =	vshll.u32 v3, $0x16;
	v0 =	vld.msk [tilespmem:s17+$0x0 ss:$0x1], $0xffff;
	v2 =	vand.u32 $0x7F, v2  }
0x39: {  	v4 =	vsel vm1, $0xFFFFFFFF, v4;
	v3 =	vand.u32 $0x3C00000, v3;
	v2 =	vsel vm1, $0xFFFFFFFF, v2  }
0x3a: {  	s31 =	sshll.u32 s12, $0xF;
	v62 =	vand.u32 $0x7F, v4;
	v3 =	vsel vm1, $0xFFC00000, v3;
	v6 =	vshll.u32 v2, $0xF  }
0x3b: {  	s14 =	sor.u32 $0x10000, s14;
	s15 =	sand.u32 $0x8000, s31;
	v4 =	vshll.u32 v4, $0x3;
	(ifvalue) =	ssetifvalue $0x7FFFFFFF;
	v3 =	vor.u32 v3, v62;
	v6 =	vand.u32 $0xFFFC0000, v6  }
0x3c: {  	v4 =	vand.u32 $0xFFFFFC00, v4;
	[tilespmem:s14], [sflag:$0x1] =	stream.indirect_vreg.gather [hbm4b:s2+s10], $0x1, v1, vm0, $0x4038;
	v1 =	vshll.u32 v2, $0x7;
	v2 =	vadd.s32 v6, v3;
	v63 =	vld [tilespmem:$0x0]  }
0x3d: {  	s16 =	simm.s32 $0x20;
	s15 =	sor.u32 $0x10000, s15;
	s17 =	sadd.s32 $0x10, s17;
	vm1 =	veq.s32 v0, $0x80000000;
	v1 =	vand.u32 $0x380, v1;
	v2 =	vadd.s32 v4, v2  }
.LBB2_3:
0x3e: {  	v3 =	vld.msk [tilespmem:s17+$0x0 ss:$0x1], $0xffff;
	v4 =	vshrl.u32 v0, $0x4;
	v5 =	vshrl.u32 v0, $0xB;
	v1 =	vor.u32 v1, v2;
	s16 =	sadd.s32 $0x10, s16  }
0x3f: {  	v0 =	vshll.u32 v0, $0x16;
	v2 =	vand.u32 $0x7F, v4;
	v4 =	vand.u32 $0x7FFF, v5;
	p1 =	slt.u32 s16, $0x7FF0  }
.Ltmp3:
0x40: {  	v0 =	vand.u32 $0x3C00000, v0;
	v2 =	vsel vm1, $0xFFFFFFFF, v2;
	v4 =	vsel vm1, $0xFFFFFFFF, v4;
	(pc) =	sbr.rel @p1 .LBB2_3-.Ltmp3, $4  }
0x41: {  	v0 =	vsel vm1, $0xFFC00000, v0;
	v5 =	vand.u32 $0x7F, v4;
	v6 =	vshll.u32 v2, $0xF  }
0x42: {  	s14 =	sadd.s32 $0x10, s14;
	v4 =	vshll.u32 v4, $0x3;
	v6 =	vand.u32 $0xFFFC0000, v6;
	v7 =	vor.u32 v0, v5;
	(ifvalue) =	ssetifvalue $0x7FFFFFFF  }
0x43: {  	v2 =	vshll.u32 v2, $0x7;
	v4 =	vand.u32 $0xFFFFFC00, v4;
	v5 =	vadd.s32 v6, v7;
	[tilespmem:s14], [sflag:$0x1] =	stream.indirect_vreg.gather [hbm4b:s2+s10], $0x1, v1, vm0, $0x4038;
	v63 =	vld [tilespmem:$0x0]  }
0x44: {  	s17 =	sadd.s32 $0x10, s17;
	vm1 =	veq.s32 v3, $0x80000000;
	v1 =	vand.u32 $0x380, v2;
	v0 =	vmovc v3;
	v2 =	vadd.s32 v4, v5  }
.Ltmp4:
0x45: {  	_ = 	snop;
	(pc) =	sbr.rel .LBB2_4-.Ltmp4, $1  }
0x46: {  	_ =	sdelay $0x3  }
.LBB2_6:
0x47: {  	_ =	sfence.sel $0x180000  }
0x48: {  	s2 =	simm.s32 $0x2;
	[bflag:$0x0] =	sbarrier.arrive $0xFFFF  }
0x49: {  	s30 =	simm.s32 $0x3;
	[sflag:s2] =	ssyncpa.u1 $0x1  }
0x4a: {  	s31 =	simm.s32 $0x1;
	[sflag:s30] =	ssyncpa.u1 $0x1  }
0x4b: {  	[sflag:s31] =	ssyncpa.u1 $0x1  }
0x4c: {  	p0 =	sne.s32 s0, $0x0;
	_ =	strace $0x90000050  }
0x4d: {  	s0 =	sadd.s32 @!p0 $0x100000, s1;
	[bflag:$0x2] =	sbarrier.arrive $0xFFFF  }
0x4e: {  	[sflag:s0] =	ssyncadd.tile.s32 @!p0 $0x1;
	_ =	shalt  }
.Lfunc_end2:
_tile_overlayer_lowered:
.L_overlay_start_2:
0x4f: {  	(tag) =	ssettag $0x2  }
0x50: {  	s0 =	rddreg [dreg:$0x0];
	s2 =	stileid.u32  }
0x51: {  	s1 =	rddreg [dreg:$0x1];
	p0 =	sne.s32 s2, $0x0  }
0x52: {  	s3 =	rddreg [dreg:$0x2];
	[bflag:$0x3] =	sbarrier.arrive $0xFFFF;
	s2 =	simm.s32 @!p0 $0x1C01  }
0x53: {  	[timem:s3], [sflag:s2] =	dma.local @!p0 [hbm:s0], s1  }
0x54: {  	s0 =	simm.s32 @!p0 $0x1  }
0x55: {  	_ =	swait.ge @!p0 [sflag:s0], s1  }
0x56: {  	s1 =	ssub.s32 @!p0 $0x0, s1;
	[sflag:s0] =	ssyncset.done @!p0 $0x0  }
0x57: {  	[sflag:s0] =	ssyncadd.s32 @!p0 s1  }
0x58: {  	[bflag:$0x3] =	sbarrier.arrive $0xFFFF  }
0x59: {  	_ =	shalt  }

// kernel: kernel.4.cloned.1.call-start
scs
__scs_entry_jumppad:
0x0: {  	(pc) =	sbr.rel $0x88, $3  }
0x1: {  	(tag) =	ssettag $0x0;
	lr =	simm.s32 $0x1  }
0x2: {  	[smem:$0x3F9D] =	sst lr;
	_ =	strace $0xD0000000  }
0x3: {  	_ = 	snop  }
0x4: {  	_ = 	snop  }
0x5: {  	_ = 	snop  }
0x6: {  	_ = 	snop  }
0x7: {  	_ = 	snop  }
__scs_overlays_trampoline_lowered:
0x8: {  	[smem:$0x3FAC] =	sst s0  }
0x9: {  	[smem:$0x3FAD] =	sst s1  }
0xa: {  	[smem:$0x3FAE] =	sst s2  }
0xb: {  	[smem:$0x3FAF] =	sst s3  }
0xc: {  	[smem:$0x3FB0] =	sst s4  }
0xd: {  	[smem:$0x3FB1] =	sst s5  }
0xe: {  	[smem:$0x3FB2] =	sst s6  }
0xf: {  	[smem:$0x3FB3] =	sst s7  }
0x10: {  	[smem:$0x3FB4] =	sst s8  }
0x11: {  	[smem:$0x3FB5] =	sst s9;
	s0 =	simm.s32 @!p0 $0x0  }
0x12: {  	s1 =	sld [smem:$0x3F9B];
	s0 =	simm.s32 @p0 $0x1  }
0x13: {  	[smem:$0x3FB6] =	sst s0;
	s0 =	simm.s32 @!p1 $0x0  }
0x14: {  	s2 =	sld [smem:$0x3F9A];
	s0 =	simm.s32 @p1 $0x1  }
0x15: {  	[smem:$0x3FB7] =	sst s0;
	s0 =	simm.s32 @!p2 $0x0  }
0x16: {  	s3 =	sld [smem:$0x3FDB];
	s0 =	simm.s32 @p2 $0x1  }
0x17: {  	s4 =	simm.s32 $0x1BF5;
	[smem:$0x3FB9] =	sst s0  }
0x18: {  	s0 =	sld [smem:$0x3F9C];
	_ =	swait.ge [sflag:s4], $0x0  }
0x19: {  	s7 =	sld [smem:$0x3F9D]  }
0x1a: {  	s8 =	sadd.s32 $0xFFFFE003, lr  }
0x1b: {  	s9 =	sadd.s32 $0xFFFFFEF7, lr;
	s5 =	simm.s32 $0xFFFFFFFF;
	p2 =	slt.u32 s8, $0xFFFFF086  }
0x1c: {  	p1 =	slt.u32 s9, $0xF7A;
	s5 =	simm.s32 @!p2 $0x0  }
0x1d: {  	s5 =	simm.s32 @p1 $0x1;
	p0 =	seq.s32 s7, s2  }
0x1e: {  	s7 =	smul.u32 @!p0 $0xF7A, s2;
	p2 =	seq.s32 @!p0 s5, $0x0  }
0x1f: {  	s9 =	smul.u32 $0xF7A, s1;
	s8 =	simm.s32 @!p0 $0x1BF5;
	p2 =	por !p2, p0  }
0x20: {  	[sflag:s8] =	ssyncset.s32 @!p0 $0xFFFFF086;
	s6 =	sadd.s32 @!p0 s3, s7;
	s7 =	simm.s32 @!p0 $0x108  }
0x21: {  	s3 =	sadd.s32 s3, s9;
	s6 =	sadd.s32 @!p0 $0x88, s6;
	s7 =	simm.s32 @p2 $0x1082  }
0x22: {  	[simem:s7], [sflag:s8] =	dma.local @!p0 [hbm:s6], $0xF7A  }
0x23: {  	s9 =	sor.u32 $0xD0000000, s2;
	s6 =	simm.s32 $0x108;
	_ =	swait.ge @!p0 [sflag:s8], $0x0  }
0x24: {  	s3 =	sadd.s32 $0x88, s3;
	s6 =	simm.s32 @!p1 $0x1082;
	[sflag:s4] =	ssyncset.s32 $0xFFFFF086  }
0x25: {  	[simem:s6], [sflag:s4] =	dma.local [hbm:s3], $0xF7A  }
0x26: {  	[smem:$0x3F9D] =	sst s1;
	(tag) =	ssettag s2;
	_ =	strace s9  }
0x27: {  	s1 =	sld [smem:$0x3FAD]  }
0x28: {  	s2 =	sld [smem:$0x3FAE]  }
0x29: {  	s4 =	sld [smem:$0x3FB0]  }
0x2a: {  	p0 =	seq.s32 s5, $0x0;
	s5 =	sld [smem:$0x3FB1]  }
0x2b: {  	s6 =	sld [smem:$0x3FB2]  }
0x2c: {  	s7 =	sld [smem:$0x3FB3]  }
0x2d: {  	s3 =	simm.s32 $0x108;
	s8 =	sld [smem:$0x3FB4]  }
0x2e: {  	s3 =	simm.s32 @!p0 $0x1082;
	s9 =	sld [smem:$0x3FB5]  }
0x2f: {  	lr =	sadd.s32 s0, s3;
	s0 =	sld [smem:$0x3FAC]  }
0x30: {  	s3 =	sld [smem:$0x3FAF]  }
0x31: {  	[smem:$0x3FB8] =	sst s10  }
0x32: {  	s10 =	sld [smem:$0x3FB6];
	_ =	sdelay $0x3  }
0x33: {  	p0 =	seq.s32 s10, $0x1;
	s10 =	sld [smem:$0x3FB8];
	_ =	sdelay $0x3  }
0x34: {  	[smem:$0x3FB8] =	sst s10  }
0x35: {  	s10 =	sld [smem:$0x3FB7];
	_ =	sdelay $0x3  }
0x36: {  	p1 =	seq.s32 s10, $0x1;
	s10 =	sld [smem:$0x3FB8];
	_ =	sdelay $0x3  }
0x37: {  	[smem:$0x3FB8] =	sst s10  }
0x38: {  	s10 =	sld [smem:$0x3FB9]  }
0x39: {  	_ = 	snop;
	(pc) =	sbr.ind lr, $3  }
0x3a: {  	_ = 	snop  }
0x3b: {  	_ = 	snop  }
0x3c: {  	p2 =	seq.s32 s10, $0x1;
	s10 =	sld [smem:$0x3FB8]  }
0x3d: {  	_ =	shalt  }
0x3e: {  	_ =	shalt  }
0x3f: {  	_ =	shalt  }
0x40: {  	_ =	shalt  }
0x41: {  	_ =	shalt  }
0x42: {  	_ =	shalt  }
0x43: {  	_ =	shalt  }
0x44: {  	_ =	shalt  }
0x45: {  	_ =	shalt  }
0x46: {  	_ =	shalt  }
0x47: {  	_ =	shalt  }
0x48: {  	_ =	shalt  }
0x49: {  	_ =	shalt  }
0x4a: {  	_ =	shalt  }
0x4b: {  	_ =	shalt  }
0x4c: {  	_ =	shalt  }
0x4d: {  	_ =	shalt  }
0x4e: {  	_ =	shalt  }
0x4f: {  	_ =	shalt  }
0x50: {  	_ =	shalt  }
0x51: {  	_ =	shalt  }
0x52: {  	_ =	shalt  }
0x53: {  	_ =	shalt  }
0x54: {  	_ =	shalt  }
0x55: {  	_ =	shalt  }
0x56: {  	_ =	shalt  }
0x57: {  	_ =	shalt  }
0x58: {  	_ =	shalt  }
0x59: {  	_ =	shalt  }
0x5a: {  	_ =	shalt  }
0x5b: {  	_ =	shalt  }
0x5c: {  	_ =	shalt  }
0x5d: {  	_ =	shalt  }
0x5e: {  	_ =	shalt  }
0x5f: {  	_ =	shalt  }
0x60: {  	_ =	shalt  }
0x61: {  	_ =	shalt  }
0x62: {  	_ =	shalt  }
0x63: {  	_ =	shalt  }
0x64: {  	_ =	shalt  }
0x65: {  	_ =	shalt  }
0x66: {  	_ =	shalt  }
0x67: {  	_ =	shalt  }
0x68: {  	_ =	shalt  }
0x69: {  	_ =	shalt  }
0x6a: {  	_ =	shalt  }
0x6b: {  	_ =	shalt  }
0x6c: {  	_ =	shalt  }
0x6d: {  	_ =	shalt  }
0x6e: {  	_ =	shalt  }
0x6f: {  	_ =	shalt  }
0x70: {  	_ =	shalt  }
0x71: {  	_ =	shalt  }
0x72: {  	_ =	shalt  }
0x73: {  	_ =	shalt  }
0x74: {  	_ =	shalt  }
0x75: {  	_ =	shalt  }
0x76: {  	_ =	shalt  }
0x77: {  	_ =	shalt  }
0x78: {  	_ =	shalt  }
0x79: {  	_ =	shalt  }
0x7a: {  	_ =	shalt  }
0x7b: {  	_ =	shalt  }
0x7c: {  	_ =	shalt  }
0x7d: {  	_ =	shalt  }
0x7e: {  	_ =	shalt  }
0x7f: {  	_ =	shalt  }
0x80: {  	_ =	shalt  }
0x81: {  	_ =	shalt  }
0x82: {  	_ =	shalt  }
0x83: {  	_ =	shalt  }
0x84: {  	_ =	shalt  }
0x85: {  	_ =	shalt  }
0x86: {  	_ =	shalt  }
0x87: {  	_ =	shalt  }
.Lfunc_end0:
.L_simem_size_0:
called_computation.3_lowered:
.L_overlay_start_0:
0x88: {  	s2 =	sld [smem:$0x3FD9]  }
0x89: {  	s3 =	sld [smem:$0x3FFE];
	_ =	sdelay $0x1  }
0x8a: {  	s1 =	srdreg.scid  }
0x8b: {  	s0 =	sand.u32 $0x1, s1  }
0x8c: {  	s14 =	sshll.u32 s0, $0xA;
	s2 =	sadd.s32 s3, s2  }
0x8d: {  	s2 =	sadd.s32 s2, s14  }
0x8e: {  	[smem:$0x3FC4] =	sst s2  }
0x8f: {  	_ = 	snop  }
0x90: {  	s2 =	sld [smem:$0x3FD0];
	_ =	sdelay $0x2  }
0x91: {  	s15 =	simm.s32 $0xA;
	s4 =	simm.s32 $0x10  }
0x92: {  	[smem:s4], [sflag:s15] =	dma.local [hbm:s2], $0x1  }
0x93: {  	_ =	swait.eq [sflag:s15], $0x1  }
0x94: {  	[sflag:s15] =	ssyncset.done $0x0  }
0x95: {  	[sflag:s15] =	ssyncadd.s32 $0xFFFFFFFF  }
0x96: {  	s16 =	sld [smem:$0x10];
	(tm) =	ssettm $0x1  }
0x97: {  	s17 =	sld [smem:$0x3FFB];
	_ =	sdelay $0x3  }
0x98: {  	_ =	strace s17  }
0x99: {  	s3 =	sld [smem:$0x3FFC];
	_ =	sdelay $0x3  }
0x9a: {  	_ =	strace s3  }
0x9b: {  	s3 =	sld [smem:$0x3FFD];
	_ =	sdelay $0x3  }
0x9c: {  	_ =	strace s3  }
0x9d: {  	_ =	strace $0x8FFFFFFF  }
0x9e: {  	s18 =	sld [smem:$0x3FDB];
	_ =	sdelay $0x1  }
0x9f: {  	s19 =	simm.s32 $_scs_section_size  }
0xa0: {  	s5 =	simm.s32 $_size__tile_overlayer_lowered;
	s6 =	simm.s32 $_tile_overlayer_lowered  }
0xa1: {  	s22 =	simm.s32 $0x1BFF;
	s21 =	sshll.u32 s6, $0x1;
	s3 =	sadd.s32 s19, s18  }
0xa2: {  	s7 =	simm.s32 $0x0;
	s20 =	sshll.u32 s5, $0x1;
	s5 =	sadd.s32 s21, s3  }
0xa3: {  	[timem:s7], [sflag:s22] =	dma.local [hbm:s5], s20  }
0xa4: {  	_ =	swait.ge [sflag:s22], s20  }
0xa5: {  	s4 =	ssub.s32 $0x0, s20;
	[sflag:s22] =	ssyncset.done $0x0  }
0xa6: {  	[sflag:s22] =	ssyncadd.s32 s4;
	_ =	sdelay $0x1  }
0xa7: {  	s23 =	simm.s32 $0x1B8B  }
0xa8: {  	_ =	swait.ge [sflag:s23], $0x1  }
0xa9: {  	[sflag:s23] =	ssyncset.done $0x0  }
0xaa: {  	s25 =	simm.s32 $0x1B8E;
	s24 =	sld [smem:$0x3FFE];
	[sflag:s23] =	ssyncadd.s32 $0xFFFFFFFF  }
0xab: {  	s26 =	simm.s32 $execute0_lowered;
	[smem:$0x3FD2] =	sst s25  }
0xac: {  	s5 =	sshll.u32 s26, $0x1;
	_ =	strace $0x80000049;
	[dreg:$0x1] =	wrdreg $0xFFFFFFFF  }
0xad: {  	s28 =	simm.s32 $_size_execute0_lowered;
	s3 =	sadd.s32 s3, s5;
	[dreg:$0x0] =	wrdreg $0x0  }
0xae: {  	s5 =	sshll.u32 s28, $0x1;
	[dreg:$0x2] =	wrdreg s3  }
0xaf: {  	[dreg:$0x3] =	wrdreg s5  }
0xb0: {  	[dreg:$0x4] =	wrdreg $0xC0  }
0xb1: {  	_ =	task [dreg:s7], $0x5FFFF  }
0xb2: {  	[dreg:$0x1] =	wrdreg $0xFFFFFFFF  }
0xb3: {  	[dreg:$0x0] =	wrdreg $0x60  }
0xb4: {  	[dreg:$0x2] =	wrdreg s24  }
0xb5: {  	[dreg:$0x3] =	wrdreg s16  }
0xb6: {  	[dreg:$0x4] =	wrdreg $0x9  }
0xb7: {  	_ =	task.clear_ibuf [dreg:s7], $0x5FFFF;
	_ =	strace $0x90000049  }
0xb8: {  	s29 =	simm.s32 $0x9;
	_ =	strace $0x8000004B  }
0xb9: {  	_ =	swait.ge [sflag:s29], $0x1  }
0xba: {  	[sflag:s29] =	ssyncadd.s32 $0xFFFFFFFF  }
0xbb: {  	_ =	strace $0x9000004B  }
0xbc: {  	_ =	sfence  }
0xbd: {  	s30 =	sld [smem:$0x0];
	_ =	sdelay $0x2  }
0xbe: {  	s31 =	sshll.u32 s1, $0xD;
	s1 =	sshrl.u32 s1, $0x2  }
0xbf: {  	s3 =	sand.u32 $0x4000, s31;
	s1 =	sadd.s32 s1, s30  }
0xc0: {  	s0 =	sor.u32 s3, s0;
	s1 =	sshll.u32 s1, $0x11  }
0xc1: {  	s0 =	sor.u32 s1, s0  }
0xc2: {  	s0 =	sadd.s32 $0x8F2B, s0  }
0xc3: {  	[sflag:s0] =	ssyncadd.remote.s32 $0x1  }
0xc4: {  	_ =	sfence.sel $0xFFFF  }
0xc5: {  	[dreg:$0x0] =	wrdreg $0xFFFFFFFF;
	(pc) =	sbr.abs _section_cstart, $3  }
0xc6: {  	[dreg:$0x1] =	wrdreg $0xFFFFFFFF  }
0xc7: {  	_ =	task.clear_ibuf [dreg:s7], $0x2FFFF;
	_ =	strace $0x9FFFFFFF  }
0xc8: {  	(tm) =	ssettm $0x7FFFFFFF  }
0xc9: {  	_ =	shalt  }
tec
execute0_lowered:
.L_overlay_start_1:
0x0: {  	(tag) =	ssettag $0x1  }
0x1: {  	s11 =	rddreg [dreg:$0x0];
	s0 =	srdreg.scid  }
0x2: {  	s2 =	rddreg [dreg:$0x1];
	s1 =	stileid.u32  }
0x3: {  	s3 =	simm.s32 $0x0;
	s5 =	simm.s32 $0x1;
	s23 =	simm.s32 $0x2000  }
0x4: {  	s24 =	simm.s32 $0x4000;
	s6 =	sand.u32 $0x1, s0;
	s0 =	rddreg [dreg:$0x2]  }
0x5: {  	[smem:$0x7FF] =	sst s3;
	s19 =	sadd.s32 $0x14000, s11;
	s4 =	sor.u32 s6, s1  }
0x6: {  	s20 =	sadd.s32 $0x4000, s11;
	p1 =	seq.s32 s6, $0x1;
	p0 =	seq.s32 s4, $0x0  }
0x7: {  	_ =	strace $0x8000004A;
	s26 =	ssub.s32 $0x2, s6;
	p0 =	por !p0, !p1  }
0x8: {  	s31 =	sshll.u32 s6, $0xF;
	s22 =	sshll.u32 s6, $0xC;
	p0 =	por !p0, !p0  }
0x9: {  	s7 =	sshrl.u32 s26, $0x1;
	s4 =	simm.s32 $0x1;
	s5 =	simm.s32 @!p0 $0x0  }
0xa: {  	v0 =	vmov s22;
	s22 =	simm.s32 $0x400;
	s12 =	ssub.s32 s26, s7;
	s5 =	ssub.s32 s1, s5  }
0xb: {  	s28 =	sshll.u32 s5, $0xF;
	s8 =	sshll.u32 s5, $0x7;
	s29 =	sshll.u32 s5, $0xD  }
0xc: {  	s7 =	sand.u32 $0xFFFC0000, s28;
	s9 =	sand.u32 $0x380, s8;
	s30 =	sand.u32 $0xFFFF0000, s29  }
0xd: {  	s12 =	smax.u32 s12, $0x1;
	s5 =	sor.u32 s9, s7;
	s10 =	sor.u32 s31, s30  }
0xe: {  	s6 =	sadd.s32 $0x80000, s5;
	s7 =	sadd.s32 $0x100000, s5;
	s8 =	sadd.s32 $0x180000, s5  }
0xf: {  	s13 =	sor.u32 s9, s10;
	s9 =	sadd.s32 $0x200000, s5;
	s21 =	sshrl.u32 s5, $0x3  }
0x10: {  	s10 =	sadd.s32 $0x280000, s5;
	s13 =	sshrl.u32 s13, $0x3;
	s14 =	sadd.s32 s20, s21  }
0x11: {  	s16 =	sor.u32 $0x2000, s21;
	s18 =	sor.u32 $0x4000, s21;
	s11 =	sadd.s32 s11, s13  }
0x12: {  	s13 =	sadd.s32 s19, s21;
	s15 =	sadd.s32 s19, s16;
	s16 =	sadd.s32 s20, s16  }
0x13: {  	s17 =	sadd.s32 s19, s18;
	s18 =	sadd.s32 s20, s18;
	s21 =	sor.u32 $0x6000, s21  }
0x14: {  	v1 =	vimm.s32 $0x0;
	v2 =	vlaneseq.u32;
	s19 =	sadd.s32 s19, s21;
	s20 =	sadd.s32 s20, s21;
	s21 =	simm.s32 $0x80  }
.LBB2_1:
0x15: {  	s25 =	simm.s32 $0x40;
	s26 =	simm.s32 $0x0  }
.LBB2_2:
0x16: {  	p0 =	sne.s32 s25, $0x3FC0;
	[tilespmem:s26+$0x4000] =	vst v1;
	s26 =	smov.u32 s25;
	s25 =	sadd.s32 $0x40, s25  }
.Ltmp0:
0x17: {  	(pc) =	sbr.rel @p0 .LBB2_2-.Ltmp0, $2  }
0x18: {  	_ =	sdelay $0x2  }
0x19: {  	s26 =	sshra.s32 s26, $0x2  }
0x1a: {  	[tilespmem:s26+$0x4000] =	vst v1;
	s25 =	simm.s32 $0x0  }
0x1b: {  	[tilespmem:s25], [sflag:$0x1] =	stream.strided.gather [hbm4b:s13+s21], $0x2000, s22, s21, $0x38;
	[tilespmem:$0x5000] =	vst v63  }
0x1c: {  	_ =	swait.ge [sflag:s4], $0x2000  }
0x1d: {  	[sflag:s4] =	ssyncset.done $0x0  }
0x1e: {  	[sflag:s4] =	ssyncadd.s32 $0xFFFFE000  }
0x1f: {  	[tilespmem:s23], [sflag:$0x1] =	stream.strided.gather [hbm4b:s14+s21], $0x2000, s22, s21, $0x38;
	[tilespmem:$0x5000] =	vst v63  }
0x20: {  	_ =	swait.ge [sflag:s4], $0x2000  }
0x21: {  	[sflag:s4] =	ssyncset.done $0x0  }
0x22: {  	s26 =	simm.s32 $0x40;
	s25 =	simm.s32 $0x0;
	[sflag:s4] =	ssyncadd.s32 $0xFFFFE000  }
.LBB2_4:
0x23: {  	p0 =	sne.s32 s26, $0x7FC0;
	v3 =	vld [tilespmem:s25+$0x0];
	_ =	sdelay $0x4  }
0x24: {  	v3 =	vsub.s32 v3, v0  }
0x25: {  	vm0 =	vgt.s32 v3, $0x0  }
0x26: {  	vm1 =	vlt.u32 v3, $0x1000;
	v3 =	vnsel vm0, $0x0, v3  }
0x27: {  	v4 =	vld [tilespmem:s25+$0x2000];
	v3 =	vmin.u32 v3, $0xFFF  }
.Ltmp1:
0x28: {  	(pc) =	sbr.rel @p0 .LBB2_4-.Ltmp1, $2  }
0x29: {  	_ =	sdelay $0x2  }
0x2a: {  	s25 =	sshra.s32 s26, $0x2;
	s26 =	sadd.s32 $0x40, s26;
	[tilespmem:v3+s24+$0x0] =	vst.idx.msk vm1, v4  }
0x2b: {  	v3 =	vld [tilespmem:s25+$0x0];
	_ =	sdelay $0x4  }
0x2c: {  	v3 =	vsub.s32 v3, v0  }
0x2d: {  	vm0 =	vgt.s32 v3, $0x0  }
0x2e: {  	vm1 =	vlt.u32 v3, $0x1000;
	v3 =	vnsel vm0, $0x0, v3  }
0x2f: {  	v4 =	vld [tilespmem:s25+$0x2000];
	v3 =	vmin.u32 v3, $0xFFF;
	_ =	sdelay $0x4  }
0x30: {  	s31 =	simm.s32 $0x0;
	[tilespmem:v3+s24+$0x0] =	vst.idx.msk vm1, v4  }
0x31: {  	[tilespmem:s31], [sflag:$0x1] =	stream.strided.gather [hbm4b:s15+s21], $0x2000, s22, s21, $0x38;
	[tilespmem:$0x5000] =	vst v63  }
0x32: {  	_ =	swait.ge [sflag:s4], $0x2000  }
0x33: {  	[sflag:s4] =	ssyncset.done $0x0  }
0x34: {  	[sflag:s4] =	ssyncadd.s32 $0xFFFFE000  }
0x35: {  	[tilespmem:s23], [sflag:$0x1] =	stream.strided.gather [hbm4b:s16+s21], $0x2000, s22, s21, $0x38;
	[tilespmem:$0x5000] =	vst v63  }
0x36: {  	_ =	swait.ge [sflag:s4], $0x2000  }
0x37: {  	[sflag:s4] =	ssyncset.done $0x0  }
0x38: {  	s25 =	simm.s32 $0x0;
	s26 =	simm.s32 $0x40;
	[sflag:s4] =	ssyncadd.s32 $0xFFFFE000  }
.LBB2_6:
0x39: {  	p0 =	sne.s32 s26, $0x7FC0;
	v3 =	vld [tilespmem:s25+$0x0];
	_ =	sdelay $0x4  }
0x3a: {  	v3 =	vsub.s32 v3, v0  }
0x3b: {  	vm0 =	vgt.s32 v3, $0x0  }
0x3c: {  	vm1 =	vlt.u32 v3, $0x1000;
	v3 =	vnsel vm0, $0x0, v3  }
0x3d: {  	v4 =	vld [tilespmem:s25+$0x2000];
	v3 =	vmin.u32 v3, $0xFFF  }
.Ltmp2:
0x3e: {  	(pc) =	sbr.rel @p0 .LBB2_6-.Ltmp2, $2  }
0x3f: {  	_ =	sdelay $0x2  }
0x40: {  	s25 =	sshra.s32 s26, $0x2;
	s26 =	sadd.s32 $0x40, s26;
	[tilespmem:v3+s24+$0x0] =	vst.idx.msk vm1, v4  }
0x41: {  	v3 =	vld [tilespmem:s25+$0x0];
	_ =	sdelay $0x4  }
0x42: {  	v3 =	vsub.s32 v3, v0  }
0x43: {  	vm0 =	vgt.s32 v3, $0x0  }
0x44: {  	vm1 =	vlt.u32 v3, $0x1000;
	v3 =	vnsel vm0, $0x0, v3  }
0x45: {  	v4 =	vld [tilespmem:s25+$0x2000];
	v3 =	vmin.u32 v3, $0xFFF;
	_ =	sdelay $0x4  }
0x46: {  	s31 =	simm.s32 $0x0;
	[tilespmem:v3+s24+$0x0] =	vst.idx.msk vm1, v4  }
0x47: {  	[tilespmem:s31], [sflag:$0x1] =	stream.strided.gather [hbm4b:s17+s21], $0x2000, s22, s21, $0x38;
	[tilespmem:$0x5000] =	vst v63  }
0x48: {  	_ =	swait.ge [sflag:s4], $0x2000  }
0x49: {  	[sflag:s4] =	ssyncset.done $0x0  }
0x4a: {  	[sflag:s4] =	ssyncadd.s32 $0xFFFFE000  }
0x4b: {  	[tilespmem:s23], [sflag:$0x1] =	stream.strided.gather [hbm4b:s18+s21], $0x2000, s22, s21, $0x38;
	[tilespmem:$0x5000] =	vst v63  }
0x4c: {  	_ =	swait.ge [sflag:s4], $0x2000  }
0x4d: {  	[sflag:s4] =	ssyncset.done $0x0  }
0x4e: {  	s25 =	simm.s32 $0x0;
	s26 =	simm.s32 $0x40;
	[sflag:s4] =	ssyncadd.s32 $0xFFFFE000  }
.LBB2_8:
0x4f: {  	p0 =	sne.s32 s26, $0x7FC0;
	v3 =	vld [tilespmem:s25+$0x0];
	_ =	sdelay $0x4  }
0x50: {  	v3 =	vsub.s32 v3, v0  }
0x51: {  	vm0 =	vgt.s32 v3, $0x0  }
0x52: {  	vm1 =	vlt.u32 v3, $0x1000;
	v3 =	vnsel vm0, $0x0, v3  }
0x53: {  	v4 =	vld [tilespmem:s25+$0x2000];
	v3 =	vmin.u32 v3, $0xFFF  }
.Ltmp3:
0x54: {  	(pc) =	sbr.rel @p0 .LBB2_8-.Ltmp3, $2  }
0x55: {  	_ =	sdelay $0x2  }
0x56: {  	s25 =	sshra.s32 s26, $0x2;
	s26 =	sadd.s32 $0x40, s26;
	[tilespmem:v3+s24+$0x0] =	vst.idx.msk vm1, v4  }
0x57: {  	v3 =	vld [tilespmem:s25+$0x0];
	_ =	sdelay $0x4  }
0x58: {  	v3 =	vsub.s32 v3, v0  }
0x59: {  	vm0 =	vgt.s32 v3, $0x0  }
0x5a: {  	vm1 =	vlt.u32 v3, $0x1000;
	v3 =	vnsel vm0, $0x0, v3  }
0x5b: {  	v4 =	vld [tilespmem:s25+$0x2000];
	v3 =	vmin.u32 v3, $0xFFF;
	_ =	sdelay $0x4  }
0x5c: {  	s25 =	simm.s32 $0x0;
	[tilespmem:v3+s24+$0x0] =	vst.idx.msk vm1, v4  }
0x5d: {  	[tilespmem:s25], [sflag:$0x1] =	stream.strided.gather [hbm4b:s19+s21], $0x2000, s22, s21, $0x38;
	[tilespmem:$0x5000] =	vst v63  }
0x5e: {  	_ =	swait.ge [sflag:s4], $0x2000  }
0x5f: {  	[sflag:s4] =	ssyncset.done $0x0  }
0x60: {  	[sflag:s4] =	ssyncadd.s32 $0xFFFFE000  }
0x61: {  	[tilespmem:s23], [sflag:$0x1] =	stream.strided.gather [hbm4b:s20+s21], $0x2000, s22, s21, $0x38;
	[tilespmem:$0x5000] =	vst v63  }
0x62: {  	_ =	swait.ge [sflag:s4], $0x2000  }
0x63: {  	[sflag:s4] =	ssyncset.done $0x0  }
0x64: {  	s26 =	simm.s32 $0x0;
	s28 =	simm.s32 $0x40;
	[sflag:s4] =	ssyncadd.s32 $0xFFFFE000  }
.LBB2_10:
0x65: {  	p0 =	sne.s32 s28, $0x7FC0;
	v3 =	vld [tilespmem:s26+$0x0];
	_ =	sdelay $0x4  }
0x66: {  	v3 =	vsub.s32 v3, v0  }
0x67: {  	vm0 =	vgt.s32 v3, $0x0  }
0x68: {  	vm1 =	vlt.u32 v3, $0x1000;
	v3 =	vnsel vm0, $0x0, v3  }
0x69: {  	v4 =	vld [tilespmem:s26+$0x2000];
	v3 =	vmin.u32 v3, $0xFFF  }
.Ltmp4:
0x6a: {  	(pc) =	sbr.rel @p0 .LBB2_10-.Ltmp4, $2  }
0x6b: {  	_ =	sdelay $0x2  }
0x6c: {  	s26 =	sshra.s32 s28, $0x2;
	s28 =	sadd.s32 $0x40, s28;
	[tilespmem:v3+s24+$0x0] =	vst.idx.msk vm1, v4  }
0x6d: {  	v3 =	vld [tilespmem:s26+$0x0];
	_ =	sdelay $0x4  }
0x6e: {  	v3 =	vsub.s32 v3, v0  }
0x6f: {  	vm0 =	vgt.s32 v3, $0x0  }
0x70: {  	vm1 =	vlt.u32 v3, $0x1000;
	v3 =	vnsel vm0, $0x0, v3  }
0x71: {  	v4 =	vld [tilespmem:s26+$0x2000];
	v3 =	vmin.u32 v3, $0xFFF;
	_ =	sdelay $0x4  }
0x72: {  	s28 =	simm.s32 $0x0;
	[tilespmem:v3+s24+$0x0] =	vst.idx.msk vm1, v4  }
.LBB2_12:
0x73: {  	s26 =	sshll.u32 s28, $0x10  }
0x74: {  	s26 =	sadd.s32 s5, s26  }
0x75: {  	s26 =	sshrl.u32 s26, $0x3  }
0x76: {  	s29 =	simm.s32 $0x0;
	s26 =	sadd.s32 s2, s26  }
0x77: {  	[tilespmem:s29], [sflag:$0x1] =	stream.strided.gather [hbm4b:s26+s21], $0x2000, s22, s21, $0x38;
	[tilespmem:$0x5000] =	vst v63  }
0x78: {  	_ =	swait.ge [sflag:s4], $0x2000  }
0x79: {  	[sflag:s4] =	ssyncset.done $0x0  }
0x7a: {  	s31 =	simm.s32 $0x0;
	[sflag:s4] =	ssyncadd.s32 $0xFFFFE000  }
0x7b: {  	v3 =	vld [tilespmem:s31+$0x0];
	_ =	sdelay $0x4  }
0x7c: {  	v3 =	vsub.s32 v3, v0  }
0x7d: {  	vm0 =	vgt.s32 v3, $0x0  }
0x7e: {  	vm1 =	vlt.u32 v3, $0x1000;
	v3 =	vnsel vm0, $0x0, v3  }
0x7f: {  	v3 =	vmin.u32 v3, $0xFFF;
	_ =	sdelay $0x3  }
0x80: {  	v4 =	vor.u32 s25, v2  }
0x81: {  	s30 =	simm.s32 $0x10;
	s29 =	simm.s32 $0x80;
	s26 =	smov.u32 s25;
	[tilespmem:v3+s24+$0x0] =	vst.idx.msk vm1, v4  }
.LBB2_13:
0x82: {  	p0 =	sne.s32 s29, $0x7FC0;
	v3 =	vld [tilespmem:s30+$0x0];
	_ =	sdelay $0x4  }
0x83: {  	v3 =	vsub.s32 v3, v0  }
0x84: {  	vm0 =	vgt.s32 v3, $0x0  }
0x85: {  	vm1 =	vlt.u32 v3, $0x1000;
	v3 =	vnsel vm0, $0x0, v3  }
0x86: {  	v3 =	vmin.u32 v3, $0xFFF  }
.Ltmp5:
0x87: {  	(pc) =	sbr.rel @p0 .LBB2_13-.Ltmp5, $4  }
0x88: {  	_ = 	snop  }
0x89: {  	s26 =	sadd.s32 $0x10, s26  }
0x8a: {  	v4 =	vor.u32 s26, v2  }
0x8b: {  	s30 =	sshra.s32 s29, $0x2;
	s29 =	sadd.s32 $0x40, s29;
	[tilespmem:v3+s24+$0x0] =	vst.idx.msk vm1, v4  }
0x8c: {  	v3 =	vld [tilespmem:s30+$0x0];
	_ =	sdelay $0x4  }
0x8d: {  	v3 =	vsub.s32 v3, v0  }
0x8e: {  	vm0 =	vgt.s32 v3, $0x0  }
0x8f: {  	s28 =	sadd.s32 $0x1, s28;
	vm1 =	vlt.u32 v3, $0x1000;
	v3 =	vnsel vm0, $0x0, v3  }
0x90: {  	p0 =	sne.s32 s28, $0x4;
	v3 =	vmin.u32 v3, $0xFFF  }
.Ltmp6:
0x91: {  	_ = 	snop;
	(pc) =	sbr.rel @p0 .LBB2_12-.Ltmp6, $4  }
0x92: {  	_ = 	snop  }
0x93: {  	s26 =	sadd.s32 $0x10, s26  }
0x94: {  	v4 =	vor.u32 s26, v2  }
0x95: {  	s25 =	sadd.s32 $0x2000, s25;
	s26 =	simm.s32 $0x0;
	[tilespmem:v3+s24+$0x0] =	vst.idx.msk vm1, v4  }
0x96: {  	s28 =	simm.s32 $0x0;
	s29 =	simm.s32 $0x0  }
.LBB2_16:
0x97: {  	s25 =	sshll.u32 s29, $0x10  }
0x98: {  	s25 =	sadd.s32 s6, s25  }
0x99: {  	s25 =	sshrl.u32 s25, $0x3  }
0x9a: {  	s25 =	sadd.s32 s2, s25  }
0x9b: {  	[tilespmem:s26], [sflag:$0x1] =	stream.strided.gather [hbm4b:s25+s21], $0x2000, s22, s21, $0x38;
	[tilespmem:$0x5000] =	vst v63  }
0x9c: {  	_ =	swait.ge [sflag:s4], $0x2000  }
0x9d: {  	[sflag:s4] =	ssyncset.done $0x0  }
0x9e: {  	s25 =	simm.s32 $0x0;
	[sflag:s4] =	ssyncadd.s32 $0xFFFFE000  }
0x9f: {  	v3 =	vld [tilespmem:s25+$0x0];
	_ =	sdelay $0x4  }
0xa0: {  	v3 =	vsub.s32 v3, v0  }
0xa1: {  	vm0 =	vgt.s32 v3, $0x0  }
0xa2: {  	vm1 =	vlt.u32 v3, $0x1000;
	v3 =	vnsel vm0, $0x0, v3  }
0xa3: {  	v3 =	vmin.u32 v3, $0xFFF;
	_ =	sdelay $0x3  }
0xa4: {  	v4 =	vor.u32 s28, v2  }
0xa5: {  	s31 =	simm.s32 $0x10;
	s30 =	simm.s32 $0x80;
	s25 =	smov.u32 s28;
	[tilespmem:v3+s24+$0x0] =	vst.idx.msk vm1, v4  }
.LBB2_17:
0xa6: {  	p0 =	sne.s32 s30, $0x7FC0;
	v3 =	vld [tilespmem:s31+$0x0];
	_ =	sdelay $0x4  }
0xa7: {  	v3 =	vsub.s32 v3, v0  }
0xa8: {  	vm0 =	vgt.s32 v3, $0x0  }
0xa9: {  	vm1 =	vlt.u32 v3, $0x1000;
	v3 =	vnsel vm0, $0x0, v3  }
0xaa: {  	v3 =	vmin.u32 v3, $0xFFF  }
.Ltmp7:
0xab: {  	(pc) =	sbr.rel @p0 .LBB2_17-.Ltmp7, $4  }
0xac: {  	_ = 	snop  }
0xad: {  	s25 =	sadd.s32 $0x10, s25  }
0xae: {  	v4 =	vor.u32 s25, v2  }
0xaf: {  	s31 =	sshra.s32 s30, $0x2;
	s30 =	sadd.s32 $0x40, s30;
	[tilespmem:v3+s24+$0x0] =	vst.idx.msk vm1, v4  }
0xb0: {  	v3 =	vld [tilespmem:s31+$0x0];
	_ =	sdelay $0x4  }
0xb1: {  	v3 =	vsub.s32 v3, v0  }
0xb2: {  	vm0 =	vgt.s32 v3, $0x0  }
0xb3: {  	s29 =	sadd.s32 $0x1, s29;
	vm1 =	vlt.u32 v3, $0x1000;
	v3 =	vnsel vm0, $0x0, v3  }
0xb4: {  	p0 =	sne.s32 s29, $0x4;
	v3 =	vmin.u32 v3, $0xFFF  }
.Ltmp8:
0xb5: {  	_ = 	snop;
	(pc) =	sbr.rel @p0 .LBB2_16-.Ltmp8, $4  }
0xb6: {  	_ = 	snop  }
0xb7: {  	s25 =	sadd.s32 $0x10, s25  }
0xb8: {  	v4 =	vor.u32 s25, v2  }
0xb9: {  	s28 =	sadd.s32 $0x2000, s28;
	s25 =	simm.s32 $0x0;
	[tilespmem:v3+s24+$0x0] =	vst.idx.msk vm1, v4  }
0xba: {  	s28 =	simm.s32 $0x0;
	s29 =	simm.s32 $0x0  }
.LBB2_20:
0xbb: {  	s26 =	sshll.u32 s29, $0x10  }
0xbc: {  	s26 =	sadd.s32 s7, s26  }
0xbd: {  	s26 =	sshrl.u32 s26, $0x3  }
0xbe: {  	s26 =	sadd.s32 s2, s26  }
0xbf: {  	[tilespmem:s25], [sflag:$0x1] =	stream.strided.gather [hbm4b:s26+s21], $0x2000, s22, s21, $0x38;
	[tilespmem:$0x5000] =	vst v63  }
0xc0: {  	_ =	swait.ge [sflag:s4], $0x2000  }
0xc1: {  	[sflag:s4] =	ssyncset.done $0x0  }
0xc2: {  	s26 =	simm.s32 $0x0;
	[sflag:s4] =	ssyncadd.s32 $0xFFFFE000  }
0xc3: {  	v3 =	vld [tilespmem:s26+$0x0];
	_ =	sdelay $0x4  }
0xc4: {  	v3 =	vsub.s32 v3, v0  }
0xc5: {  	vm0 =	vgt.s32 v3, $0x0  }
0xc6: {  	vm1 =	vlt.u32 v3, $0x1000;
	v3 =	vnsel vm0, $0x0, v3  }
0xc7: {  	v3 =	vmin.u32 v3, $0xFFF;
	_ =	sdelay $0x3  }
0xc8: {  	v4 =	vor.u32 s28, v2  }
0xc9: {  	s31 =	simm.s32 $0x10;
	s30 =	simm.s32 $0x80;
	s26 =	smov.u32 s28;
	[tilespmem:v3+s24+$0x0] =	vst.idx.msk vm1, v4  }
.LBB2_21:
0xca: {  	p0 =	sne.s32 s30, $0x7FC0;
	v3 =	vld [tilespmem:s31+$0x0];
	_ =	sdelay $0x4  }
0xcb: {  	v3 =	vsub.s32 v3, v0  }
0xcc: {  	vm0 =	vgt.s32 v3, $0x0  }
0xcd: {  	vm1 =	vlt.u32 v3, $0x1000;
	v3 =	vnsel vm0, $0x0, v3  }
0xce: {  	v3 =	vmin.u32 v3, $0xFFF  }
.Ltmp9:
0xcf: {  	(pc) =	sbr.rel @p0 .LBB2_21-.Ltmp9, $4  }
0xd0: {  	_ = 	snop  }
0xd1: {  	s26 =	sadd.s32 $0x10, s26  }
0xd2: {  	v4 =	vor.u32 s26, v2  }
0xd3: {  	s31 =	sshra.s32 s30, $0x2;
	s30 =	sadd.s32 $0x40, s30;
	[tilespmem:v3+s24+$0x0] =	vst.idx.msk vm1, v4  }
0xd4: {  	v3 =	vld [tilespmem:s31+$0x0];
	_ =	sdelay $0x4  }
0xd5: {  	v3 =	vsub.s32 v3, v0  }
0xd6: {  	vm0 =	vgt.s32 v3, $0x0  }
0xd7: {  	s29 =	sadd.s32 $0x1, s29;
	vm1 =	vlt.u32 v3, $0x1000;
	v3 =	vnsel vm0, $0x0, v3  }
0xd8: {  	p0 =	sne.s32 s29, $0x4;
	v3 =	vmin.u32 v3, $0xFFF  }
.Ltmp10:
0xd9: {  	_ = 	snop;
	(pc) =	sbr.rel @p0 .LBB2_20-.Ltmp10, $4  }
0xda: {  	_ = 	snop  }
0xdb: {  	s26 =	sadd.s32 $0x10, s26  }
0xdc: {  	v4 =	vor.u32 s26, v2  }
0xdd: {  	s28 =	sadd.s32 $0x2000, s28;
	s26 =	simm.s32 $0x0;
	[tilespmem:v3+s24+$0x0] =	vst.idx.msk vm1, v4  }
0xde: {  	s28 =	simm.s32 $0x0;
	s29 =	simm.s32 $0x0  }
.LBB2_24:
0xdf: {  	s25 =	sshll.u32 s29, $0x10  }
0xe0: {  	s25 =	sadd.s32 s8, s25  }
0xe1: {  	s25 =	sshrl.u32 s25, $0x3  }
0xe2: {  	s25 =	sadd.s32 s2, s25  }
0xe3: {  	[tilespmem:s26], [sflag:$0x1] =	stream.strided.gather [hbm4b:s25+s21], $0x2000, s22, s21, $0x38;
	[tilespmem:$0x5000] =	vst v63  }
0xe4: {  	_ =	swait.ge [sflag:s4], $0x2000  }
0xe5: {  	[sflag:s4] =	ssyncset.done $0x0  }
0xe6: {  	s25 =	simm.s32 $0x0;
	[sflag:s4] =	ssyncadd.s32 $0xFFFFE000  }
0xe7: {  	v3 =	vld [tilespmem:s25+$0x0];
	_ =	sdelay $0x4  }
0xe8: {  	v3 =	vsub.s32 v3, v0  }
0xe9: {  	vm0 =	vgt.s32 v3, $0x0  }
0xea: {  	vm1 =	vlt.u32 v3, $0x1000;
	v3 =	vnsel vm0, $0x0, v3  }
0xeb: {  	v3 =	vmin.u32 v3, $0xFFF;
	_ =	sdelay $0x3  }
0xec: {  	v4 =	vor.u32 s28, v2  }
0xed: {  	s31 =	simm.s32 $0x10;
	s30 =	simm.s32 $0x80;
	s25 =	smov.u32 s28;
	[tilespmem:v3+s24+$0x0] =	vst.idx.msk vm1, v4  }
.LBB2_25:
0xee: {  	p0 =	sne.s32 s30, $0x7FC0;
	v3 =	vld [tilespmem:s31+$0x0];
	_ =	sdelay $0x4  }
0xef: {  	v3 =	vsub.s32 v3, v0  }
0xf0: {  	vm0 =	vgt.s32 v3, $0x0  }
0xf1: {  	vm1 =	vlt.u32 v3, $0x1000;
	v3 =	vnsel vm0, $0x0, v3  }
0xf2: {  	v3 =	vmin.u32 v3, $0xFFF  }
.Ltmp11:
0xf3: {  	(pc) =	sbr.rel @p0 .LBB2_25-.Ltmp11, $4  }
0xf4: {  	_ = 	snop  }
0xf5: {  	s25 =	sadd.s32 $0x10, s25  }
0xf6: {  	v4 =	vor.u32 s25, v2  }
0xf7: {  	s31 =	sshra.s32 s30, $0x2;
	s30 =	sadd.s32 $0x40, s30;
	[tilespmem:v3+s24+$0x0] =	vst.idx.msk vm1, v4  }
0xf8: {  	v3 =	vld [tilespmem:s31+$0x0];
	_ =	sdelay $0x4  }
0xf9: {  	v3 =	vsub.s32 v3, v0  }
0xfa: {  	vm0 =	vgt.s32 v3, $0x0  }
0xfb: {  	s29 =	sadd.s32 $0x1, s29;
	vm1 =	vlt.u32 v3, $0x1000;
	v3 =	vnsel vm0, $0x0, v3  }
0xfc: {  	p0 =	sne.s32 s29, $0x4;
	v3 =	vmin.u32 v3, $0xFFF  }
.Ltmp12:
0xfd: {  	_ = 	snop;
	(pc) =	sbr.rel @p0 .LBB2_24-.Ltmp12, $4  }
0xfe: {  	_ = 	snop  }
0xff: {  	s25 =	sadd.s32 $0x10, s25  }
0x100: {  	v4 =	vor.u32 s25, v2  }
0x101: {  	s28 =	sadd.s32 $0x2000, s28;
	s25 =	simm.s32 $0x0;
	[tilespmem:v3+s24+$0x0] =	vst.idx.msk vm1, v4  }
0x102: {  	s28 =	simm.s32 $0x0;
	s29 =	simm.s32 $0x0  }
.LBB2_28:
0x103: {  	s26 =	sshll.u32 s29, $0x10  }
0x104: {  	s26 =	sadd.s32 s9, s26  }
0x105: {  	s26 =	sshrl.u32 s26, $0x3  }
0x106: {  	s26 =	sadd.s32 s2, s26  }
0x107: {  	[tilespmem:s25], [sflag:$0x1] =	stream.strided.gather [hbm4b:s26+s21], $0x2000, s22, s21, $0x38;
	[tilespmem:$0x5000] =	vst v63  }
0x108: {  	_ =	swait.ge [sflag:s4], $0x2000  }
0x109: {  	[sflag:s4] =	ssyncset.done $0x0  }
0x10a: {  	s26 =	simm.s32 $0x0;
	[sflag:s4] =	ssyncadd.s32 $0xFFFFE000  }
0x10b: {  	v3 =	vld [tilespmem:s26+$0x0];
	_ =	sdelay $0x4  }
0x10c: {  	v3 =	vsub.s32 v3, v0  }
0x10d: {  	vm0 =	vgt.s32 v3, $0x0  }
0x10e: {  	vm1 =	vlt.u32 v3, $0x1000;
	v3 =	vnsel vm0, $0x0, v3  }
0x10f: {  	v3 =	vmin.u32 v3, $0xFFF;
	_ =	sdelay $0x3  }
0x110: {  	v4 =	vor.u32 s28, v2  }
0x111: {  	s31 =	simm.s32 $0x10;
	s30 =	simm.s32 $0x80;
	s26 =	smov.u32 s28;
	[tilespmem:v3+s24+$0x0] =	vst.idx.msk vm1, v4  }
.LBB2_29:
0x112: {  	p0 =	sne.s32 s30, $0x7FC0;
	v3 =	vld [tilespmem:s31+$0x0];
	_ =	sdelay $0x4  }
0x113: {  	v3 =	vsub.s32 v3, v0  }
0x114: {  	vm0 =	vgt.s32 v3, $0x0  }
0x115: {  	vm1 =	vlt.u32 v3, $0x1000;
	v3 =	vnsel vm0, $0x0, v3  }
0x116: {  	v3 =	vmin.u32 v3, $0xFFF  }
.Ltmp13:
0x117: {  	(pc) =	sbr.rel @p0 .LBB2_29-.Ltmp13, $4  }
0x118: {  	_ = 	snop  }
0x119: {  	s26 =	sadd.s32 $0x10, s26  }
0x11a: {  	v4 =	vor.u32 s26, v2  }
0x11b: {  	s31 =	sshra.s32 s30, $0x2;
	s30 =	sadd.s32 $0x40, s30;
	[tilespmem:v3+s24+$0x0] =	vst.idx.msk vm1, v4  }
0x11c: {  	v3 =	vld [tilespmem:s31+$0x0];
	_ =	sdelay $0x4  }
0x11d: {  	v3 =	vsub.s32 v3, v0  }
0x11e: {  	vm0 =	vgt.s32 v3, $0x0  }
0x11f: {  	s29 =	sadd.s32 $0x1, s29;
	vm1 =	vlt.u32 v3, $0x1000;
	v3 =	vnsel vm0, $0x0, v3  }
0x120: {  	p0 =	sne.s32 s29, $0x4;
	v3 =	vmin.u32 v3, $0xFFF  }
.Ltmp14:
0x121: {  	_ = 	snop;
	(pc) =	sbr.rel @p0 .LBB2_28-.Ltmp14, $4  }
0x122: {  	_ = 	snop  }
0x123: {  	s26 =	sadd.s32 $0x10, s26  }
0x124: {  	v4 =	vor.u32 s26, v2  }
0x125: {  	s28 =	sadd.s32 $0x2000, s28;
	s26 =	simm.s32 $0x0;
	[tilespmem:v3+s24+$0x0] =	vst.idx.msk vm1, v4  }
0x126: {  	s25 =	simm.s32 $0x0;
	s28 =	simm.s32 $0x0  }
.LBB2_32:
0x127: {  	s29 =	sshll.u32 s28, $0x10  }
0x128: {  	s29 =	sadd.s32 s10, s29  }
0x129: {  	s29 =	sshrl.u32 s29, $0x3  }
0x12a: {  	s29 =	sadd.s32 s2, s29  }
0x12b: {  	[tilespmem:s26], [sflag:$0x1] =	stream.strided.gather [hbm4b:s29+s21], $0x2000, s22, s21, $0x38;
	[tilespmem:$0x5000] =	vst v63  }
0x12c: {  	_ =	swait.ge [sflag:s4], $0x2000  }
0x12d: {  	[sflag:s4] =	ssyncset.done $0x0  }
0x12e: {  	s29 =	simm.s32 $0x0;
	[sflag:s4] =	ssyncadd.s32 $0xFFFFE000  }
0x12f: {  	v3 =	vld [tilespmem:s29+$0x0];
	_ =	sdelay $0x4  }
0x130: {  	v3 =	vsub.s32 v3, v0  }
0x131: {  	vm0 =	vgt.s32 v3, $0x0  }
0x132: {  	vm1 =	vlt.u32 v3, $0x1000;
	v3 =	vnsel vm0, $0x0, v3  }
0x133: {  	v3 =	vmin.u32 v3, $0xFFF;
	_ =	sdelay $0x3  }
0x134: {  	v4 =	vor.u32 s25, v2  }
0x135: {  	s31 =	simm.s32 $0x10;
	s30 =	simm.s32 $0x80;
	s29 =	smov.u32 s25;
	[tilespmem:v3+s24+$0x0] =	vst.idx.msk vm1, v4  }
.LBB2_33:
0x136: {  	p0 =	sne.s32 s30, $0x7FC0;
	v3 =	vld [tilespmem:s31+$0x0];
	_ =	sdelay $0x4  }
0x137: {  	v3 =	vsub.s32 v3, v0  }
0x138: {  	vm0 =	vgt.s32 v3, $0x0  }
0x139: {  	vm1 =	vlt.u32 v3, $0x1000;
	v3 =	vnsel vm0, $0x0, v3  }
0x13a: {  	v3 =	vmin.u32 v3, $0xFFF  }
.Ltmp15:
0x13b: {  	(pc) =	sbr.rel @p0 .LBB2_33-.Ltmp15, $4  }
0x13c: {  	_ = 	snop  }
0x13d: {  	s29 =	sadd.s32 $0x10, s29  }
0x13e: {  	v4 =	vor.u32 s29, v2  }
0x13f: {  	s31 =	sshra.s32 s30, $0x2;
	s30 =	sadd.s32 $0x40, s30;
	[tilespmem:v3+s24+$0x0] =	vst.idx.msk vm1, v4  }
0x140: {  	v3 =	vld [tilespmem:s31+$0x0];
	_ =	sdelay $0x4  }
0x141: {  	v3 =	vsub.s32 v3, v0  }
0x142: {  	vm0 =	vgt.s32 v3, $0x0  }
0x143: {  	s28 =	sadd.s32 $0x1, s28;
	vm1 =	vlt.u32 v3, $0x1000;
	v3 =	vnsel vm0, $0x0, v3  }
0x144: {  	p0 =	sne.s32 s28, $0x4;
	v3 =	vmin.u32 v3, $0xFFF  }
.Ltmp16:
0x145: {  	_ = 	snop;
	(pc) =	sbr.rel @p0 .LBB2_32-.Ltmp16, $4  }
0x146: {  	_ = 	snop  }
0x147: {  	s29 =	sadd.s32 $0x10, s29  }
0x148: {  	v4 =	vor.u32 s29, v2  }
0x149: {  	s25 =	sadd.s32 $0x2000, s25;
	[tilespmem:v3+s24+$0x0] =	vst.idx.msk vm1, v4  }
0x14a: {  	s3 =	sadd.s32 $0x1, s3  }
0x14b: {  	p0 =	sne.s32 s3, s12  }
.Ltmp17:
0x14c: {  	_ = 	snop;
	(pc) =	sbr.rel @p0 .LBB2_1-.Ltmp17, $4  }
0x14d: {  	[hbm4b:s11+s21] =	stream.strided.scatter [tilespmem:s24], [sflag:$0x1], $0x1000, s22, s21, $0x38;
	[tilespmem:$0x5000] =	vst v63  }
0x14e: {  	_ =	swait.ge [sflag:s4], $0x1000  }
0x14f: {  	[sflag:s4] =	ssyncset.done $0x0  }
0x150: {  	[sflag:s4] =	ssyncadd.s32 $0xFFFFF000  }
0x151: {  	_ =	sfence.sel $0x180000  }
0x152: {  	[bflag:$0x0] =	sbarrier.arrive $0xFFFF  }
0x153: {  	p0 =	sne.s32 s1, $0x0;
	_ =	strace $0x9000004A  }
0x154: {  	s0 =	sadd.s32 @!p0 $0x100000, s0;
	[bflag:$0x2] =	sbarrier.arrive $0xFFFF  }
0x155: {  	[sflag:s0] =	ssyncadd.tile.s32 @!p0 $0x1;
	_ =	shalt  }
.Lfunc_end2:
_tile_overlayer_lowered:
.L_overlay_start_2:
0x156: {  	(tag) =	ssettag $0x2  }
0x157: {  	s0 =	rddreg [dreg:$0x0];
	s2 =	stileid.u32  }
0x158: {  	s1 =	rddreg [dreg:$0x1];
	p0 =	sne.s32 s2, $0x0  }
0x159: {  	s3 =	rddreg [dreg:$0x2];
	[bflag:$0x3] =	sbarrier.arrive $0xFFFF;
	s2 =	simm.s32 @!p0 $0x1C01  }
0x15a: {  	[timem:s3], [sflag:s2] =	dma.local @!p0 [hbm:s0], s1  }
0x15b: {  	s0 =	simm.s32 @!p0 $0x1  }
0x15c: {  	_ =	swait.ge @!p0 [sflag:s0], s1  }
0x15d: {  	s1 =	ssub.s32 @!p0 $0x0, s1;
	[sflag:s0] =	ssyncset.done @!p0 $0x0  }
0x15e: {  	[sflag:s0] =	ssyncadd.s32 @!p0 s1  }
0x15f: {  	[bflag:$0x3] =	sbarrier.arrive $0xFFFF  }
0x160: {  	_ =	shalt  }

// kernel: scatter_offload_async_start
scs
__scs_entry_jumppad:
0x0: {  	(pc) =	sbr.rel $0x88, $3  }
0x1: {  	(tag) =	ssettag $0x0;
	lr =	simm.s32 $0x1  }
0x2: {  	[smem:$0x3F9D] =	sst lr;
	_ =	strace $0xD0000000  }
0x3: {  	_ = 	snop  }
0x4: {  	_ = 	snop  }
0x5: {  	_ = 	snop  }
0x6: {  	_ = 	snop  }
0x7: {  	_ = 	snop  }
__scs_overlays_trampoline_lowered:
0x8: {  	[smem:$0x3FAC] =	sst s0  }
0x9: {  	[smem:$0x3FAD] =	sst s1  }
0xa: {  	[smem:$0x3FAE] =	sst s2  }
0xb: {  	[smem:$0x3FAF] =	sst s3  }
0xc: {  	[smem:$0x3FB0] =	sst s4  }
0xd: {  	[smem:$0x3FB1] =	sst s5  }
0xe: {  	[smem:$0x3FB2] =	sst s6  }
0xf: {  	[smem:$0x3FB3] =	sst s7  }
0x10: {  	[smem:$0x3FB4] =	sst s8  }
0x11: {  	[smem:$0x3FB5] =	sst s9;
	s0 =	simm.s32 @!p0 $0x0  }
0x12: {  	s1 =	sld [smem:$0x3F9B];
	s0 =	simm.s32 @p0 $0x1  }
0x13: {  	[smem:$0x3FB6] =	sst s0;
	s0 =	simm.s32 @!p1 $0x0  }
0x14: {  	s2 =	sld [smem:$0x3F9A];
	s0 =	simm.s32 @p1 $0x1  }
0x15: {  	[smem:$0x3FB7] =	sst s0;
	s0 =	simm.s32 @!p2 $0x0  }
0x16: {  	s3 =	sld [smem:$0x3FDB];
	s0 =	simm.s32 @p2 $0x1  }
0x17: {  	s4 =	simm.s32 $0x1BF5;
	[smem:$0x3FB9] =	sst s0  }
0x18: {  	s0 =	sld [smem:$0x3F9C];
	_ =	swait.ge [sflag:s4], $0x0  }
0x19: {  	s7 =	sld [smem:$0x3F9D]  }
0x1a: {  	s8 =	sadd.s32 $0xFFFFE003, lr  }
0x1b: {  	s9 =	sadd.s32 $0xFFFFFEF7, lr;
	s5 =	simm.s32 $0xFFFFFFFF;
	p2 =	slt.u32 s8, $0xFFFFF086  }
0x1c: {  	p1 =	slt.u32 s9, $0xF7A;
	s5 =	simm.s32 @!p2 $0x0  }
0x1d: {  	s5 =	simm.s32 @p1 $0x1;
	p0 =	seq.s32 s7, s2  }
0x1e: {  	s7 =	smul.u32 @!p0 $0xF7A, s2;
	p2 =	seq.s32 @!p0 s5, $0x0  }
0x1f: {  	s9 =	smul.u32 $0xF7A, s1;
	s8 =	simm.s32 @!p0 $0x1BF5;
	p2 =	por !p2, p0  }
0x20: {  	[sflag:s8] =	ssyncset.s32 @!p0 $0xFFFFF086;
	s6 =	sadd.s32 @!p0 s3, s7;
	s7 =	simm.s32 @!p0 $0x108  }
0x21: {  	s3 =	sadd.s32 s3, s9;
	s6 =	sadd.s32 @!p0 $0x88, s6;
	s7 =	simm.s32 @p2 $0x1082  }
0x22: {  	[simem:s7], [sflag:s8] =	dma.local @!p0 [hbm:s6], $0xF7A  }
0x23: {  	s9 =	sor.u32 $0xD0000000, s2;
	s6 =	simm.s32 $0x108;
	_ =	swait.ge @!p0 [sflag:s8], $0x0  }
0x24: {  	s3 =	sadd.s32 $0x88, s3;
	s6 =	simm.s32 @!p1 $0x1082;
	[sflag:s4] =	ssyncset.s32 $0xFFFFF086  }
0x25: {  	[simem:s6], [sflag:s4] =	dma.local [hbm:s3], $0xF7A  }
0x26: {  	[smem:$0x3F9D] =	sst s1;
	(tag) =	ssettag s2;
	_ =	strace s9  }
0x27: {  	s1 =	sld [smem:$0x3FAD]  }
0x28: {  	s2 =	sld [smem:$0x3FAE]  }
0x29: {  	s4 =	sld [smem:$0x3FB0]  }
0x2a: {  	p0 =	seq.s32 s5, $0x0;
	s5 =	sld [smem:$0x3FB1]  }
0x2b: {  	s6 =	sld [smem:$0x3FB2]  }
0x2c: {  	s7 =	sld [smem:$0x3FB3]  }
0x2d: {  	s3 =	simm.s32 $0x108;
	s8 =	sld [smem:$0x3FB4]  }
0x2e: {  	s3 =	simm.s32 @!p0 $0x1082;
	s9 =	sld [smem:$0x3FB5]  }
0x2f: {  	lr =	sadd.s32 s0, s3;
	s0 =	sld [smem:$0x3FAC]  }
0x30: {  	s3 =	sld [smem:$0x3FAF]  }
0x31: {  	[smem:$0x3FB8] =	sst s10  }
0x32: {  	s10 =	sld [smem:$0x3FB6];
	_ =	sdelay $0x3  }
0x33: {  	p0 =	seq.s32 s10, $0x1;
	s10 =	sld [smem:$0x3FB8];
	_ =	sdelay $0x3  }
0x34: {  	[smem:$0x3FB8] =	sst s10  }
0x35: {  	s10 =	sld [smem:$0x3FB7];
	_ =	sdelay $0x3  }
0x36: {  	p1 =	seq.s32 s10, $0x1;
	s10 =	sld [smem:$0x3FB8];
	_ =	sdelay $0x3  }
0x37: {  	[smem:$0x3FB8] =	sst s10  }
0x38: {  	s10 =	sld [smem:$0x3FB9]  }
0x39: {  	_ = 	snop;
	(pc) =	sbr.ind lr, $3  }
0x3a: {  	_ = 	snop  }
0x3b: {  	_ = 	snop  }
0x3c: {  	p2 =	seq.s32 s10, $0x1;
	s10 =	sld [smem:$0x3FB8]  }
0x3d: {  	_ =	shalt  }
0x3e: {  	_ =	shalt  }
0x3f: {  	_ =	shalt  }
0x40: {  	_ =	shalt  }
0x41: {  	_ =	shalt  }
0x42: {  	_ =	shalt  }
0x43: {  	_ =	shalt  }
0x44: {  	_ =	shalt  }
0x45: {  	_ =	shalt  }
0x46: {  	_ =	shalt  }
0x47: {  	_ =	shalt  }
0x48: {  	_ =	shalt  }
0x49: {  	_ =	shalt  }
0x4a: {  	_ =	shalt  }
0x4b: {  	_ =	shalt  }
0x4c: {  	_ =	shalt  }
0x4d: {  	_ =	shalt  }
0x4e: {  	_ =	shalt  }
0x4f: {  	_ =	shalt  }
0x50: {  	_ =	shalt  }
0x51: {  	_ =	shalt  }
0x52: {  	_ =	shalt  }
0x53: {  	_ =	shalt  }
0x54: {  	_ =	shalt  }
0x55: {  	_ =	shalt  }
0x56: {  	_ =	shalt  }
0x57: {  	_ =	shalt  }
0x58: {  	_ =	shalt  }
0x59: {  	_ =	shalt  }
0x5a: {  	_ =	shalt  }
0x5b: {  	_ =	shalt  }
0x5c: {  	_ =	shalt  }
0x5d: {  	_ =	shalt  }
0x5e: {  	_ =	shalt  }
0x5f: {  	_ =	shalt  }
0x60: {  	_ =	shalt  }
0x61: {  	_ =	shalt  }
0x62: {  	_ =	shalt  }
0x63: {  	_ =	shalt  }
0x64: {  	_ =	shalt  }
0x65: {  	_ =	shalt  }
0x66: {  	_ =	shalt  }
0x67: {  	_ =	shalt  }
0x68: {  	_ =	shalt  }
0x69: {  	_ =	shalt  }
0x6a: {  	_ =	shalt  }
0x6b: {  	_ =	shalt  }
0x6c: {  	_ =	shalt  }
0x6d: {  	_ =	shalt  }
0x6e: {  	_ =	shalt  }
0x6f: {  	_ =	shalt  }
0x70: {  	_ =	shalt  }
0x71: {  	_ =	shalt  }
0x72: {  	_ =	shalt  }
0x73: {  	_ =	shalt  }
0x74: {  	_ =	shalt  }
0x75: {  	_ =	shalt  }
0x76: {  	_ =	shalt  }
0x77: {  	_ =	shalt  }
0x78: {  	_ =	shalt  }
0x79: {  	_ =	shalt  }
0x7a: {  	_ =	shalt  }
0x7b: {  	_ =	shalt  }
0x7c: {  	_ =	shalt  }
0x7d: {  	_ =	shalt  }
0x7e: {  	_ =	shalt  }
0x7f: {  	_ =	shalt  }
0x80: {  	_ =	shalt  }
0x81: {  	_ =	shalt  }
0x82: {  	_ =	shalt  }
0x83: {  	_ =	shalt  }
0x84: {  	_ =	shalt  }
0x85: {  	_ =	shalt  }
0x86: {  	_ =	shalt  }
0x87: {  	_ =	shalt  }
.Lfunc_end0:
.L_simem_size_0:
called_computation_lowered:
.L_overlay_start_0:
0x88: {  	s0 =	sld [smem:$0x3FD9]  }
0x89: {  	s1 =	sld [smem:$0x3FFE];
	_ =	sdelay $0x3  }
0x8a: {  	s0 =	sadd.s32 s1, s0  }
0x8b: {  	[smem:$0x3FC4] =	sst s0  }
0x8c: {  	_ = 	snop  }
0x8d: {  	s0 =	sld [smem:$0x3FD0];
	_ =	sdelay $0x2  }
0x8e: {  	s13 =	simm.s32 $0xA;
	s2 =	simm.s32 $0x10  }
0x8f: {  	[smem:s2], [sflag:s13] =	dma.local [hbm:s0], $0x1  }
0x90: {  	_ =	swait.eq [sflag:s13], $0x1  }
0x91: {  	[sflag:s13] =	ssyncset.done $0x0  }
0x92: {  	s14 =	sld [smem:$0x10];
	[sflag:s13] =	ssyncadd.s32 $0xFFFFFFFF  }
0x93: {  	s15 =	sld [smem:$0x11];
	(tm) =	ssettm $0x1  }
0x94: {  	s16 =	sld [smem:$0x3FFB];
	_ =	sdelay $0x3  }
0x95: {  	_ =	strace s16  }
0x96: {  	s2 =	sld [smem:$0x3FFC];
	_ =	sdelay $0x3  }
0x97: {  	_ =	strace s2  }
0x98: {  	s2 =	sld [smem:$0x3FFD];
	_ =	sdelay $0x3  }
0x99: {  	_ =	strace s2  }
0x9a: {  	_ =	strace $0x8FFFFFFF  }
0x9b: {  	s17 =	sld [smem:$0x3FDB];
	_ =	sdelay $0x1  }
0x9c: {  	s3 =	simm.s32 $_scs_section_size  }
0x9d: {  	s4 =	simm.s32 $_size__tile_overlayer_lowered;
	s5 =	simm.s32 $_tile_overlayer_lowered  }
0x9e: {  	s20 =	simm.s32 $0x1BFF;
	s19 =	sshll.u32 s5, $0x1;
	s2 =	sadd.s32 s3, s17  }
0x9f: {  	s6 =	simm.s32 $0x0;
	s18 =	sshll.u32 s4, $0x1;
	s4 =	sadd.s32 s19, s2  }
0xa0: {  	[timem:s6], [sflag:s20] =	dma.local [hbm:s4], s18  }
0xa1: {  	_ =	swait.ge [sflag:s20], s18  }
0xa2: {  	s3 =	ssub.s32 $0x0, s18;
	[sflag:s20] =	ssyncset.done $0x0  }
0xa3: {  	[sflag:s20] =	ssyncadd.s32 s3;
	_ =	sdelay $0x1  }
0xa4: {  	s21 =	simm.s32 $0x1B8B  }
0xa5: {  	_ =	swait.ge [sflag:s21], $0x1  }
0xa6: {  	[sflag:s21] =	ssyncset.done $0x0  }
0xa7: {  	s23 =	simm.s32 $0x1B8E;
	s22 =	sld [smem:$0x3FFE];
	[sflag:s21] =	ssyncadd.s32 $0xFFFFFFFF  }
0xa8: {  	s24 =	simm.s32 $execute0_lowered;
	[smem:$0x3FD2] =	sst s23  }
0xa9: {  	s4 =	sshll.u32 s24, $0x1;
	_ =	strace $0x80000046;
	[dreg:$0x1] =	wrdreg $0xFFFFFFFF  }
0xaa: {  	s25 =	simm.s32 $_size_execute0_lowered;
	s2 =	sadd.s32 s2, s4;
	[dreg:$0x0] =	wrdreg $0x0  }
0xab: {  	s4 =	sshll.u32 s25, $0x1;
	[dreg:$0x2] =	wrdreg s2  }
0xac: {  	[dreg:$0x3] =	wrdreg s4  }
0xad: {  	[dreg:$0x4] =	wrdreg $0xC0  }
0xae: {  	_ =	task [dreg:s6], $0x5FFFF  }
0xaf: {  	[dreg:$0x1] =	wrdreg $0xFFFFFFFF  }
0xb0: {  	[dreg:$0x0] =	wrdreg $0x60  }
0xb1: {  	[dreg:$0x2] =	wrdreg s15  }
0xb2: {  	[dreg:$0x3] =	wrdreg s14  }
0xb3: {  	[dreg:$0x4] =	wrdreg s22  }
0xb4: {  	[dreg:$0x5] =	wrdreg $0x9  }
0xb5: {  	_ =	task.clear_ibuf [dreg:s6], $0x6FFFF;
	_ =	strace $0x90000046  }
0xb6: {  	s26 =	simm.s32 $0x9;
	_ =	strace $0x80000048  }
0xb7: {  	_ =	swait.ge [sflag:s26], $0x1  }
0xb8: {  	[sflag:s26] =	ssyncadd.s32 $0xFFFFFFFF  }
0xb9: {  	_ =	strace $0x90000048  }
0xba: {  	_ =	sfence  }
0xbb: {  	s28 =	sld [smem:$0x0];
	_ =	sdelay $0x1  }
0xbc: {  	s29 =	srdreg.scid  }
0xbd: {  	s30 =	sshll.u32 s29, $0xD;
	s31 =	sshrl.u32 s29, $0x2  }
0xbe: {  	s1 =	sand.u32 $0x1, s29;
	s2 =	sand.u32 $0x4000, s30;
	s0 =	sadd.s32 s31, s28  }
0xbf: {  	s1 =	sor.u32 s2, s1;
	s0 =	sshll.u32 s0, $0x11  }
0xc0: {  	s0 =	sor.u32 s0, s1  }
0xc1: {  	s0 =	sadd.s32 $0x8F2B, s0  }
0xc2: {  	[sflag:s0] =	ssyncadd.remote.s32 $0x1  }
0xc3: {  	_ =	sfence.sel $0xFFFF  }
0xc4: {  	[dreg:$0x0] =	wrdreg $0xFFFFFFFF;
	(pc) =	sbr.abs _section_cstart, $3  }
0xc5: {  	[dreg:$0x1] =	wrdreg $0xFFFFFFFF  }
0xc6: {  	_ =	task.clear_ibuf [dreg:s6], $0x2FFFF;
	_ =	strace $0x9FFFFFFF  }
0xc7: {  	(tm) =	ssettm $0x7FFFFFFF  }
tec
execute0_lowered:
.L_overlay_start_1:
0x0: {  	(tag) =	ssettag $0x1  }
0x1: {  	s1 =	rddreg [dreg:$0x0]  }
0x2: {  	s5 =	rddreg [dreg:$0x1]  }
0x3: {  	s9 =	rddreg [dreg:$0x2]  }
0x4: {  	s0 =	rddreg [dreg:$0x3]  }
0x5: {  	s2 =	stileid.u32;
	_ =	strace $0x80000047;
	s3 =	simm.s32 $0x3E  }
0x6: {  	p0 =	sne.s32 s2, $0x0;
	[sflag:s3] =	ssyncpa.u1 $0x0  }
0x7: {  	s4 =	simm.s32 @!p0 $0x1C3E;
	s2 =	simm.s32 @!p0 $0x0;
	s6 =	simm.s32 @!p0 $0x0  }
0x8: {  	[spmem:s2], [sflag:s4] =	dma.local @!p0 [hbm:s1], $0x80  }
0x9: {  	s6 =	simm.s32 @p0 $0x10  }
0xa: {  	s7 =	ssub.s32 $0x10, s6  }
0xb: {  	s4 =	simm.s32 @!p0 $0x3E;
	s7 =	sshrl.u32 s7, $0x4  }
0xc: {  	_ =	swait.ge @!p0 [sflag:s4], $0x80;
	s8 =	sadd.s32 $0x1, s7  }
0xd: {  	[sflag:s4] =	ssyncset.done @!p0 $0x0;
	p3 =	sne.s32 s8, $0x1  }
.Ltmp0:
0xe: {  	s10 =	sshrl.u32 s6, $0x3;
	[sflag:s4] =	ssyncadd.s32 @!p0 $0xFFFFFF80;
	(pc) =	sbr.rel @!p3 .LBB2_5-.Ltmp0, $4  }
0xf: {  	p2 =	por $0x0, $0x0;
	s6 =	sadd.s32 s5, s10;
	[bflag:$0x0] =	sbarrier.arrive $0xFFFF  }
0x10: {  	s5 =	sadd.s32 s9, s10;
	[sflag:s3] =	ssyncpa.u1 $0x1;
	s3 =	simm.s32 $0x1  }
0x11: {  	s10 =	simm.s32 $0x0;
	s4 =	simm.s32 $0x2;
	[sflag:s3] =	ssyncpa.u1 $0x0  }
0x12: {  	s9 =	simm.s32 $0x1;
	(ifvalue) =	ssetifvalue $0x400;
	[sflag:s4] =	ssyncpa.u1 $0x0  }
0x13: {  	p2 =	sle.u32 s7, $0x0  }
0x14: {  	s10 =	simm.s32 @!p2 $0x0;
	s11 =	simm.s32 @!p2 $0x50  }
0x15: {  	[tilespmem:s11], [sflag:$0x2] =	stream.linear.gather @!p2 [hbm4b:s6+s10], $0x10, $0x38;
	[tilespmem:$0x80] =	vst v63  }
0x16: {  	p1 =	por $0x1, $0x1;
	s11 =	simm.s32 @!p2 $0x70  }
0x17: {  	[tilespmem:s11], [sflag:$0x2] =	stream.linear.gather @!p2 [hbm4b:s5+s10], $0x10, $0x38;
	[tilespmem:$0x80] =	vst v63  }
0x18: {  	s10 =	simm.s32 @!p1 $0x2  }
0x19: {  	_ =	swait.ge @!p1 [sflag:s10], $0x20  }
0x1a: {  	[sflag:s10] =	ssyncset.done @!p1 $0x0  }
0x1b: {  	s11 =	simm.s32 @!p1 $0x50;
	[sflag:s10] =	ssyncadd.s32 @!p1 $0xFFFFFFE0  }
0x1c: {  	v0 =	vld.msk @!p1 [tilespmem:s11+$0x0 ss:$0x1], $0xffff;
	_ =	sdelay $0x4  }
0x1d: {  	v1 =	vshrl.u32 @!p1 v0, $0x4  }
0x1e: {  	vm0 =	veq.s32 @!p1 v0, $0x80000000;
	v0 =	vand.u32 @!p1 $0xF, v0;
	v1 =	vand.u32 @!p1 $0x7, v1  }
0x1f: {  	v0 =	vsel @!p1 vm0, $0xFFFFFFFF, v0;
	v1 =	vsel @!p1 vm0, $0xFFFFFFFF, v1  }
0x20: {  	v2 =	vand.u32 @!p1 $0x7F, v0;
	v3 =	vshll.u32 @!p1 v1, $0x7  }
0x21: {  	v0 =	vand.u32 @!p1 $0xFFFFFC00, v0;
	v1 =	vand.u32 @!p1 $0xFFFFFC00, v1;
	v3 =	vand.u32 @!p1 $0x380, v3  }
0x22: {  	v0 =	vadd.s32 @!p1 v0, v1;
	v1 =	vor.u32 @!p1 v2, v3  }
0x23: {  	v1 =	vor.u32 @!p1 v0, v1  }
0x24: {  	vm0 =	vlt.s32 @!p1 v1, $0x400  }
0x25: {  	vm1 =	vgt.s32 @!p1 v0, $0xFFFFFFFF;
	v0 =	vnsel @!p1 vm0, $0x400, v1  }
0x26: {  	v0 =	vnsel @!p1 vm1, $0x400, v0;
	_ =	sdelay $0x1  }
0x27: {  	p3 =	sne.s32 s8, $0x2  }
.Ltmp1:
0x28: {  	_ = 	snop;
	(pc) =	sbr.rel @!p3 .LBB2_2-.Ltmp1, $4  }
0x29: {  	s10 =	simm.s32 @!p1 $0x70;
	s11 =	simm.s32 @!p1 $0x0;
	vm0 =	vmmov @!p1 $0xffff  }
0x2a: {  	[spmem:s11] =	stream.indirect_vreg.scatter.add.s32 @!p1 [tilespmem:s10], [sflag:$0x1], $0x1, v0, vm0, $0x4038;
	[tilespmem:$0x80] =	vst v63  }
0x2b: {  	s11 =	simm.s32 @!p1 $0x1  }
0x2c: {  	p2 =	por $0x1, $0x1;
	s10 =	simm.s32 $0x2;
	_ =	swait.ge @!p1 [sflag:s11], $0x10  }
.LBB2_3:
0x2d: {  	p4 =	sge.u32 s9, s7  }
0x2e: {  	[sflag:s11] =	ssyncset.done @!p1 $0x0;
	s12 =	smov.u32 s10;
	s10 =	sadd.s32 $0x1, s10  }
0x2f: {  	s13 =	simm.s32 @!p4 $0x0;
	s14 =	simm.s32 @!p4 $0x50;
	[sflag:s11] =	ssyncadd.s32 @!p1 $0xFFFFFFF0  }
0x30: {  	[tilespmem:s14], [sflag:$0x2] =	stream.linear.gather @!p4 [hbm4b:s6+s13], $0x10, $0x38;
	[tilespmem:$0x80] =	vst v63  }
0x31: {  	p3 =	sne.s32 s8, s10;
	s11 =	simm.s32 @!p4 $0x70;
	p1 =	seq.s32 s9, $0x0  }
0x32: {  	[tilespmem:s11], [sflag:$0x2] =	stream.linear.gather @!p4 [hbm4b:s5+s13], $0x10, $0x38;
	[tilespmem:$0x80] =	vst v63  }
0x33: {  	s9 =	smov.u32 s12;
	s11 =	simm.s32 @!p1 $0x2  }
0x34: {  	_ =	swait.ge @!p1 [sflag:s11], $0x20  }
0x35: {  	s12 =	simm.s32 @!p1 $0x50;
	[sflag:s11] =	ssyncset.done @!p1 $0x0  }
0x36: {  	[sflag:s11] =	ssyncadd.s32 @!p1 $0xFFFFFFE0  }
0x37: {  	v0 =	vld.msk @!p1 [tilespmem:s12+$0x0 ss:$0x1], $0xffff;
	_ =	sdelay $0x5  }
0x38: {  	vm0 =	veq.s32 @!p1 v0, $0x80000000;
	v1 =	vand.u32 @!p1 $0xF, v0;
	v0 =	vshrl.u32 @!p1 v0, $0x4  }
0x39: {  	v1 =	vsel @!p1 vm0, $0xFFFFFFFF, v1;
	v0 =	vand.u32 @!p1 $0x7, v0  }
0x3a: {  	v0 =	vsel @!p1 vm0, $0xFFFFFFFF, v0;
	v2 =	vand.u32 @!p1 $0x7F, v1;
	v1 =	vand.u32 @!p1 $0xFFFFFC00, v1  }
0x3b: {  	v3 =	vand.u32 @!p1 $0xFFFFFC00, v0;
	v0 =	vshll.u32 @!p1 v0, $0x7  }
0x3c: {  	v1 =	vadd.s32 @!p1 v1, v3;
	v0 =	vand.u32 @!p1 $0x380, v0  }
0x3d: {  	v0 =	vor.u32 @!p1 v2, v0;
	vm0 =	vgt.s32 @!p1 v1, $0xFFFFFFFF  }
0x3e: {  	v0 =	vor.u32 @!p1 v1, v0  }
0x3f: {  	vm1 =	vlt.s32 @!p1 v0, $0x400  }
0x40: {  	v0 =	vnsel @!p1 vm1, $0x400, v0  }
0x41: {  	v0 =	vnsel @!p1 vm0, $0x400, v0;
	_ =	sdelay $0x1  }
.Ltmp2:
0x42: {  	(pc) =	sbr.rel @p3 .LBB2_3-.Ltmp2, $4  }
0x43: {  	s13 =	simm.s32 @!p1 $0x0;
	s12 =	simm.s32 @!p1 $0x70;
	vm0 =	vmmov @!p1 $0xffff  }
0x44: {  	s11 =	simm.s32 @!p1 $0x1  }
0x45: {  	[spmem:s13] =	stream.indirect_vreg.scatter.add.s32 @!p1 [tilespmem:s12], [sflag:$0x1], $0x1, v0, vm0, $0x4038;
	[tilespmem:$0x80] =	vst v63  }
0x46: {  	_ =	swait.ge @!p1 [sflag:s11], $0x10  }
0x47: {  	s10 =	smov.u32 s9  }
.LBB2_5:
0x48: {  	p1 =	por p1, !p2  }
0x49: {  	p2 =	sge.u32 s10, s7;
	[sflag:s11] =	ssyncset.done @!p1 $0x0  }
0x4a: {  	s7 =	simm.s32 @!p2 $0x0;
	s8 =	simm.s32 @!p2 $0x50;
	[sflag:s11] =	ssyncadd.s32 @!p1 $0xFFFFFFF0  }
0x4b: {  	[tilespmem:s8], [sflag:$0x2] =	stream.linear.gather @!p2 [hbm4b:s6+s7], $0x10, $0x38;
	[tilespmem:$0x80] =	vst v63  }
0x4c: {  	p1 =	seq.s32 s10, $0x0;
	s6 =	simm.s32 @!p2 $0x70  }
0x4d: {  	[tilespmem:s6], [sflag:$0x2] =	stream.linear.gather @!p2 [hbm4b:s5+s7], $0x10, $0x38;
	[tilespmem:$0x80] =	vst v63  }
0x4e: {  	s5 =	simm.s32 @!p1 $0x2  }
0x4f: {  	_ =	swait.ge @!p1 [sflag:s5], $0x20  }
0x50: {  	[sflag:s5] =	ssyncset.done @!p1 $0x0  }
0x51: {  	s6 =	simm.s32 @!p1 $0x50;
	[sflag:s5] =	ssyncadd.s32 @!p1 $0xFFFFFFE0  }
0x52: {  	v0 =	vld.msk @!p1 [tilespmem:s6+$0x0 ss:$0x1], $0xffff;
	_ =	sdelay $0x4  }
0x53: {  	v1 =	vshrl.u32 @!p1 v0, $0x4  }
0x54: {  	vm0 =	veq.s32 @!p1 v0, $0x80000000;
	v0 =	vand.u32 @!p1 $0xF, v0;
	v1 =	vand.u32 @!p1 $0x7, v1  }
0x55: {  	v0 =	vsel @!p1 vm0, $0xFFFFFFFF, v0;
	v1 =	vsel @!p1 vm0, $0xFFFFFFFF, v1  }
0x56: {  	v2 =	vand.u32 @!p1 $0x7F, v0;
	v3 =	vshll.u32 @!p1 v1, $0x7  }
0x57: {  	v0 =	vand.u32 @!p1 $0xFFFFFC00, v0;
	v1 =	vand.u32 @!p1 $0xFFFFFC00, v1;
	v3 =	vand.u32 @!p1 $0x380, v3  }
0x58: {  	v0 =	vadd.s32 @!p1 v0, v1;
	v1 =	vor.u32 @!p1 v2, v3  }
0x59: {  	v1 =	vor.u32 @!p1 v0, v1  }
0x5a: {  	vm0 =	vlt.s32 @!p1 v1, $0x400  }
0x5b: {  	vm1 =	vgt.s32 @!p1 v0, $0xFFFFFFFF;
	v0 =	vnsel @!p1 vm0, $0x400, v1  }
0x5c: {  	v0 =	vnsel @!p1 vm1, $0x400, v0;
	_ =	sdelay $0x3  }
0x5d: {  	s7 =	simm.s32 @!p1 $0x1;
	s5 =	simm.s32 @!p1 $0x70;
	s6 =	simm.s32 @!p1 $0x0;
	vm0 =	vmmov @!p1 $0xffff  }
0x5e: {  	[spmem:s6] =	stream.indirect_vreg.scatter.add.s32 @!p1 [tilespmem:s5], [sflag:$0x1], $0x1, v0, vm0, $0x4038;
	[tilespmem:$0x80] =	vst v63  }
0x5f: {  	_ =	swait.ge @!p1 [sflag:s7], $0x10  }
0x60: {  	[sflag:s7] =	ssyncset.done @!p1 $0x0  }
0x61: {  	[sflag:s7] =	ssyncadd.s32 @!p1 $0xFFFFFFF0  }
0x62: {  	_ =	sfence.sel $0x180000  }
0x63: {  	[bflag:$0x0] =	sbarrier.arrive $0xFFFF  }
0x64: {  	[sflag:s4] =	ssyncpa.u1 $0x1  }
0x65: {  	[sflag:s3] =	ssyncpa.u1 $0x1  }
0x66: {  	_ =	sfence.stream.spmem  }
0x67: {  	s31 =	simm.s32 $0x3D;
	[bflag:$0x0] =	sbarrier.arrive $0xFFFF  }
0x68: {  	s3 =	simm.s32 @p0 $0x3D;
	[sflag:s31] =	ssyncpa.u1 $0x0  }
0x69: {  	[sflag:s3] =	ssyncpa.u1 @p0 $0x1  }
0x6a: {  	[bflag:$0x0] =	sbarrier.arrive @p0 $0xFFFF  }
0x6b: {  	_ =	strace @p0 $0x90000047  }
0x6c: {  	s3 =	simm.s32 @!p0 $0x1C3D;
	[bflag:$0x2] =	sbarrier.arrive @p0 $0xFFFF  }
0x6d: {  	[hbm:s1], [sflag:s3] =	dma.local @!p0 [spmem:s2], $0x80  }
0x6e: {  	s1 =	simm.s32 @!p0 $0x3D  }
0x6f: {  	_ =	swait.ge @!p0 [sflag:s1], $0x80  }
0x70: {  	[sflag:s1] =	ssyncset.done @!p0 $0x0  }
0x71: {  	[sflag:s1] =	ssyncadd.s32 @!p0 $0xFFFFFF80  }
0x72: {  	[sflag:s1] =	ssyncpa.u1 @!p0 $0x1  }
0x73: {  	[bflag:$0x0] =	sbarrier.arrive @!p0 $0xFFFF  }
0x74: {  	_ =	strace @!p0 $0x90000047  }
0x75: {  	s0 =	sadd.s32 @!p0 $0x100000, s0;
	[bflag:$0x2] =	sbarrier.arrive @!p0 $0xFFFF  }
0x76: {  	[sflag:s0] =	ssyncadd.tile.s32 @!p0 $0x1;
	_ =	shalt  }
.LBB2_2:
.Ltmp3:
0x77: {  	(pc) =	sbr.rel .LBB2_5-.Ltmp3, $2  }
0x78: {  	_ =	sdelay $0x2  }
0x79: {  	s10 =	simm.s32 $0x1  }
.Lfunc_end2:
_tile_overlayer_lowered:
.L_overlay_start_2:
0x7a: {  	(tag) =	ssettag $0x2  }
0x7b: {  	s0 =	rddreg [dreg:$0x0];
	s2 =	stileid.u32  }
0x7c: {  	s1 =	rddreg [dreg:$0x1];
	p0 =	sne.s32 s2, $0x0  }
0x7d: {  	s3 =	rddreg [dreg:$0x2];
	[bflag:$0x3] =	sbarrier.arrive $0xFFFF;
	s2 =	simm.s32 @!p0 $0x1C01  }
0x7e: {  	[timem:s3], [sflag:s2] =	dma.local @!p0 [hbm:s0], s1  }
0x7f: {  	s0 =	simm.s32 @!p0 $0x1  }
0x80: {  	_ =	swait.ge @!p0 [sflag:s0], s1  }
0x81: {  	s1 =	ssub.s32 @!p0 $0x0, s1;
	[sflag:s0] =	ssyncset.done @!p0 $0x0  }
0x82: {  	[sflag:s0] =	ssyncadd.s32 @!p0 s1  }
0x83: {  	[bflag:$0x3] =	sbarrier.arrive $0xFFFF  }
0x84: {  	_ =	shalt  }

// kernel: sparse-core-data-format-call.cloned.1.call-start
scs
called_computation.1_lowered:
.L_overlay_start_0:
0x0: {  	s2 =	sld [smem:$0x3FD9]  }
0x1: {  	s3 =	sld [smem:$0x3FFE];
	_ =	sdelay $0x1  }
0x2: {  	s1 =	srdreg.scid  }
0x3: {  	s0 =	sand.u32 $0x1, s1  }
0x4: {  	s15 =	sshll.u32 s0, $0xA;
	s2 =	sadd.s32 s3, s2  }
0x5: {  	s2 =	sadd.s32 s2, s15  }
0x6: {  	[smem:$0x3FC4] =	sst s2  }
0x7: {  	_ = 	snop  }
0x8: {  	s2 =	sld [smem:$0x3FD0];
	_ =	sdelay $0x2  }
0x9: {  	s16 =	simm.s32 $0xA;
	s4 =	simm.s32 $0x10  }
0xa: {  	[smem:s4], [sflag:s16] =	dma.local [hbm:s2], $0x1  }
0xb: {  	_ =	swait.eq [sflag:s16], $0x1  }
0xc: {  	[sflag:s16] =	ssyncset.done $0x0  }
0xd: {  	[sflag:s16] =	ssyncadd.s32 $0xFFFFFFFF  }
0xe: {  	s17 =	sld [smem:$0x10];
	(tm) =	ssettm $0x1  }
0xf: {  	s18 =	sld [smem:$0x3FFB];
	_ =	sdelay $0x3  }
0x10: {  	_ =	strace s18  }
0x11: {  	s3 =	sld [smem:$0x3FFC];
	_ =	sdelay $0x3  }
0x12: {  	_ =	strace s3  }
0x13: {  	s3 =	sld [smem:$0x3FFD];
	_ =	sdelay $0x3  }
0x14: {  	_ =	strace s3  }
0x15: {  	_ =	strace $0x8FFFFFFF  }
0x16: {  	s19 =	sld [smem:$0x3FDB];
	_ =	sdelay $0x1  }
0x17: {  	s20 =	simm.s32 $_scs_section_size  }
0x18: {  	s5 =	simm.s32 $_size__tile_overlayer_lowered;
	s6 =	simm.s32 $_tile_overlayer_lowered  }
0x19: {  	s23 =	simm.s32 $0x1BFF;
	s22 =	sshll.u32 s6, $0x1;
	s3 =	sadd.s32 s20, s19  }
0x1a: {  	s7 =	simm.s32 $0x0;
	s21 =	sshll.u32 s5, $0x1;
	s5 =	sadd.s32 s22, s3  }
0x1b: {  	[timem:s7], [sflag:s23] =	dma.local [hbm:s5], s21  }
0x1c: {  	_ =	swait.ge [sflag:s23], s21  }
0x1d: {  	s4 =	ssub.s32 $0x0, s21;
	[sflag:s23] =	ssyncset.done $0x0  }
0x1e: {  	[sflag:s23] =	ssyncadd.s32 s4;
	_ =	sdelay $0x1  }
0x1f: {  	s24 =	simm.s32 $0x1B8B  }
0x20: {  	_ =	swait.ge [sflag:s24], $0x1  }
0x21: {  	[sflag:s24] =	ssyncset.done $0x0  }
0x22: {  	s26 =	simm.s32 $0x1B8E;
	s25 =	sld [smem:$0x3FFE];
	[sflag:s24] =	ssyncadd.s32 $0xFFFFFFFF  }
0x23: {  	s27 =	simm.s32 $execute0_lowered;
	[smem:$0x3FD2] =	sst s26  }
0x24: {  	s5 =	sshll.u32 s27, $0x1;
	_ =	strace $0x8000004C;
	[dreg:$0x1] =	wrdreg $0xFFFFFFFF  }
0x25: {  	s28 =	simm.s32 $_size_execute0_lowered;
	s3 =	sadd.s32 s3, s5;
	[dreg:$0x0] =	wrdreg $0x0  }
0x26: {  	s5 =	sshll.u32 s28, $0x1;
	[dreg:$0x2] =	wrdreg s3  }
0x27: {  	[dreg:$0x3] =	wrdreg s5  }
0x28: {  	[dreg:$0x4] =	wrdreg $0xC0  }
0x29: {  	_ =	task [dreg:s7], $0x5FFFF  }
0x2a: {  	[dreg:$0x1] =	wrdreg $0xFFFFFFFF  }
0x2b: {  	[dreg:$0x0] =	wrdreg $0x60  }
0x2c: {  	[dreg:$0x2] =	wrdreg s17  }
0x2d: {  	[dreg:$0x3] =	wrdreg s25  }
0x2e: {  	[dreg:$0x4] =	wrdreg $0x9  }
0x2f: {  	_ =	task.clear_ibuf [dreg:s7], $0x5FFFF;
	_ =	strace $0x9000004C  }
0x30: {  	s29 =	simm.s32 $0x9;
	_ =	strace $0x8000004E  }
0x31: {  	_ =	swait.ge [sflag:s29], $0x1  }
0x32: {  	[sflag:s29] =	ssyncadd.s32 $0xFFFFFFFF  }
0x33: {  	_ =	strace $0x9000004E  }
0x34: {  	_ =	sfence  }
0x35: {  	s30 =	sld [smem:$0x0];
	_ =	sdelay $0x2  }
0x36: {  	s31 =	sshll.u32 s1, $0xD;
	s1 =	sshrl.u32 s1, $0x2  }
0x37: {  	s3 =	sand.u32 $0x4000, s31;
	s1 =	sadd.s32 s1, s30  }
0x38: {  	s0 =	sor.u32 s3, s0;
	s1 =	sshll.u32 s1, $0x11  }
0x39: {  	s0 =	sor.u32 s1, s0  }
0x3a: {  	s0 =	sadd.s32 $0x8F2B, s0  }
0x3b: {  	[sflag:s0] =	ssyncadd.remote.s32 $0x1  }
0x3c: {  	_ =	sfence.sel $0xFFFF  }
0x3d: {  	[dreg:$0x0] =	wrdreg $0xFFFFFFFF;
	(pc) =	sbr.abs _section_cstart, $3  }
0x3e: {  	[dreg:$0x1] =	wrdreg $0xFFFFFFFF  }
0x3f: {  	_ =	task.clear_ibuf [dreg:s7], $0x2FFFF;
	_ =	strace $0x9FFFFFFF  }
0x40: {  	(tm) =	ssettm $0x7FFFFFFF  }
0x41: {  	_ =	shalt  }
tec
execute0_lowered:
.L_overlay_start_1:
0x0: {  	(tag) =	ssettag $0x1  }
0x1: {  	s2 =	rddreg [dreg:$0x0]  }
0x2: {  	s1 =	rddreg [dreg:$0x1]  }
0x3: {  	s0 =	rddreg [dreg:$0x2];
	_ =	strace $0x8000004D;
	s4 =	srdreg.scid  }
0x4: {  	s6 =	simm.s32 $0x2;
	s11 =	simm.s32 $0x0;
	p0 =	por $0x0, $0x0  }
.Ltmp0:
0x5: {  	s7 =	simm.s32 $0x2000;
	s12 =	simm.s32 $0x0;
	(pc) =	sbr.rel .LBB1_1-.Ltmp0, $4  }
0x6: {  	s9 =	simm.s32 $0x0;
	s3 =	sadd.s32 $0x9000, s1;
	s5 =	sshll.u32 s4, $0x4  }
0x7: {  	s1 =	stileid.u32;
	s4 =	simm.s32 $0x1;
	s5 =	sand.u32 $0x10, s5  }
0x8: {  	s8 =	simm.s32 $0x0;
	[sflag:s4] =	ssyncpa.u1 $0x0;
	s5 =	sor.u32 s1, s5  }
0x9: {  	[sflag:s6] =	ssyncpa.u1 $0x0;
	s6 =	simm.s32 $0x800;
	s10 =	smov.u32 s5  }
.LBB1_7:
0xa: {  	s13 =	sadd.s32 $0x10, s9  }
0xb: {  	s11 =	sadd.s32 $0x20, s10;
	s15 =	smov.u32 s10;
	p2 =	sgt.s32 s13, $0x3F  }
0xc: {  	p1 =	slt.u32 s8, $0x2;
	s15 =	smov.u32 @p2 s11  }
0xd: {  	s8 =	sadd.s32 $0x1, s8;
	s13 =	simm.s32 @p2 $0x0;
	p2 =	sgt.s32 s15, $0xFF  }
0xe: {  	s15 =	smov.u32 @p2 s5;
	p2 =	sne.s32 s8, $0x22  }
.Ltmp1:
0xf: {  	_ = 	snop;
	(pc) =	sbr.rel @!p2 .LBB1_8-.Ltmp1, $4  }
0x10: {  	s14 =	simm.s32 @!p1 $0x2  }
0x11: {  	s12 =	smov.u32 s10;
	_ =	swait.ge @!p1 [sflag:s14], $0x4000  }
0x12: {  	p0 =	por !p0, !p0;
	s11 =	smov.u32 s9;
	[sflag:s14] =	ssyncset.done @!p1 $0x0  }
0x13: {  	s9 =	smov.u32 s13;
	[sflag:s14] =	ssyncadd.s32 @!p1 $0xFFFFC000;
	s10 =	smov.u32 s15  }
.LBB1_1:
0x14: {  	p1 =	sgt.u32 s8, $0x1F  }
0x15: {  	s13 =	sxor.u32 @!p1 $0xFFFFFFFF, s8;
	s14 =	sshll.u32 @!p1 s10, $0xD  }
0x16: {  	s15 =	sshll.u32 @!p1 s9, $0x7;
	s13 =	sshll.u32 @!p1 s13, $0xE;
	s14 =	sadd.s32 @!p1 s2, s14  }
0x17: {  	s13 =	sand.u32 @!p1 $0x4000, s13;
	s14 =	sadd.s32 @!p1 s15, s14;
	s15 =	simm.s32 @!p1 $0x0  }
0x18: {  	[tilespmem:s13], [sflag:$0x1] =	stream.linear.gather @!p1 [hbm4b:s14+s15], $0x4000, $0x38;
	[tilespmem:$0x10000] =	vst v63  }
0x19: {  	p1 =	seq.s32 s8, $0x0  }
0x1a: {  	p2 =	seq.s32 @!p1 s8, $0x21  }
0x1b: {  	p1 =	por p1, p2  }
.Ltmp2:
0x1c: {  	_ = 	snop;
	(pc) =	sbr.rel @p1 .LBB1_7-.Ltmp2, $1  }
0x1d: {  	_ =	sdelay $0x3  }
0x1e: {  	s13 =	simm.s32 $0x1;
	_ =	swait.ge [sflag:s4], $0x4000;
	s16 =	sshll.u32 s8, $0xE  }
0x1f: {  	s13 =	simm.s32 @!p0 $0x0;
	[sflag:s4] =	ssyncset.done $0x0;
	s31 =	sand.u32 $0x4000, s16  }
0x20: {  	s16 =	simm.s32 $0x0;
	s14 =	sshll.u32 s13, $0xE;
	[sflag:s4] =	ssyncadd.s32 $0xFFFFC000  }
0x21: {  	s13 =	sor.u32 $0x8040, s14;
	s15 =	sor.u32 $0x40, s14;
	s14 =	sor.u32 $0x8000, s31  }
.LBB1_3:
0x22: {  	v0 =	vmov s15;
	_ =	sdelay $0x3  }
0x23: {  	s18 =	simm.s32 $0x0  }
0x24: {  	v6 =	vld.idx.msk [tilespmem:v0+s18+$0x30 ss:$0x1], $0xffff  }
0x25: {  	v7 =	vld.idx.msk [tilespmem:v0+s18+$0xFFFFFFC0 ss:$0x1], $0xffff  }
0x26: {  	v5 =	vld.idx.msk [tilespmem:v0+s18+$0xFFFFFFD0 ss:$0x1], $0xffff  }
0x27: {  	v4 =	vld.idx.msk [tilespmem:v0+s18+$0xFFFFFFE0 ss:$0x1], $0xffff  }
0x28: {  	v3 =	vld.idx.msk [tilespmem:v0+s18+$0xFFFFFFF0 ss:$0x1], $0xffff  }
0x29: {  	v1 =	vld.idx.msk [tilespmem:v0+s18+$0x0 ss:$0x1], $0xffff  }
0x2a: {  	v2 =	vld.idx.msk [tilespmem:v0+s18+$0x10 ss:$0x1], $0xffff;
	[tilespmem:s13+$0x30] =	vst v6  }
0x2b: {  	s17 =	simm.s32 $0x80;
	s19 =	simm.s32 $0x400;
	[tilespmem:s13+$0xFFFFFFC0] =	vst v7;
	v6 =	vld.idx.msk [tilespmem:v0+s18+$0x20 ss:$0x1], $0xffff;
	s18 =	smov.u32 s13  }
.LBB1_4:
0x2c: {  	p1 =	sne.s32 s19, $0xE00;
	v7 =	vld.idx.msk [tilespmem:v0+s17+$0x30 ss:$0x1], $0xffff;
	[tilespmem:s18+$0xFFFFFFD0] =	vst v5  }
0x2d: {  	v8 =	vld.idx.msk [tilespmem:v0+s17+$0xFFFFFFC0 ss:$0x1], $0xffff;
	[tilespmem:s18+$0xFFFFFFE0] =	vst v4  }
0x2e: {  	v5 =	vld.idx.msk [tilespmem:v0+s17+$0xFFFFFFD0 ss:$0x1], $0xffff;
	[tilespmem:s18+$0xFFFFFFF0] =	vst v3  }
.Ltmp3:
0x2f: {  	v4 =	vld.idx.msk [tilespmem:v0+s17+$0xFFFFFFE0 ss:$0x1], $0xffff;
	[tilespmem:s18+$0x0] =	vst v1;
	(pc) =	sbr.rel @p1 .LBB1_4-.Ltmp3, $4  }
0x30: {  	v3 =	vld.idx.msk [tilespmem:v0+s17+$0xFFFFFFF0 ss:$0x1], $0xffff;
	[tilespmem:s18+$0x10] =	vst v2  }
0x31: {  	v1 =	vld.idx.msk [tilespmem:v0+s17+$0x0 ss:$0x1], $0xffff;
	[tilespmem:s18+$0x20] =	vst v6;
	s18 =	sadd.s32 $0x800, s18  }
0x32: {  	v2 =	vld.idx.msk [tilespmem:v0+s17+$0x10 ss:$0x1], $0xffff;
	[tilespmem:s18+$0x30] =	vst v7  }
0x33: {  	[tilespmem:s18+$0xFFFFFFC0] =	vst v8;
	v6 =	vld.idx.msk [tilespmem:v0+s17+$0x20 ss:$0x1], $0xffff;
	s17 =	sshra.s32 s19, $0x2;
	s19 =	sadd.s32 $0x200, s19  }
0x34: {  	_ =	sdelay $0x2  }
0x35: {  	[tilespmem:s18+$0xFFFFFFD0] =	vst v5  }
0x36: {  	v56 =	vld.idx.msk [tilespmem:v0+s17+$0x30 ss:$0x1], $0xffff;
	[tilespmem:s18+$0xFFFFFFE0] =	vst v4  }
0x37: {  	v57 =	vld.idx.msk [tilespmem:v0+s17+$0xFFFFFFC0 ss:$0x1], $0xffff;
	[tilespmem:s18+$0xFFFFFFF0] =	vst v3  }
0x38: {  	v58 =	vld.idx.msk [tilespmem:v0+s17+$0xFFFFFFD0 ss:$0x1], $0xffff;
	[tilespmem:s18+$0x0] =	vst v1  }
0x39: {  	v59 =	vld.idx.msk [tilespmem:v0+s17+$0xFFFFFFE0 ss:$0x1], $0xffff;
	[tilespmem:s18+$0x10] =	vst v2  }
0x3a: {  	v60 =	vld.idx.msk [tilespmem:v0+s17+$0xFFFFFFF0 ss:$0x1], $0xffff;
	s31 =	sadd.s32 $0x800, s18;
	[tilespmem:s18+$0x20] =	vst v6  }
0x3b: {  	v61 =	vld.idx.msk [tilespmem:v0+s17+$0x0 ss:$0x1], $0xffff;
	[tilespmem:s31+$0x30] =	vst v56  }
0x3c: {  	v62 =	vld.idx.msk [tilespmem:v0+s17+$0x10 ss:$0x1], $0xffff;
	s16 =	sadd.s32 $0x1, s16;
	[tilespmem:s31+$0xFFFFFFC0] =	vst v57  }
0x3d: {  	v63 =	vld.idx.msk [tilespmem:v0+s17+$0x20 ss:$0x1], $0xffff;
	p1 =	sne.s32 s16, $0x10;
	[tilespmem:s31+$0xFFFFFFD0] =	vst v58  }
.Ltmp4:
0x3e: {  	[tilespmem:s31+$0xFFFFFFE0] =	vst v59;
	(pc) =	sbr.rel @p1 .LBB1_3-.Ltmp4, $4  }
0x3f: {  	[tilespmem:s31+$0xFFFFFFF0] =	vst v60  }
0x40: {  	[tilespmem:s31+$0x0] =	vst v61  }
0x41: {  	[tilespmem:s31+$0x10] =	vst v62  }
0x42: {  	s13 =	sadd.s32 $0x80, s13;
	s15 =	sadd.s32 $0x400, s15;
	[tilespmem:s31+$0x20] =	vst v63  }
.Ltmp5:
0x43: {  	(pc) =	sbr.rel .LBB1_7-.Ltmp5, $4  }
0x44: {  	s12 =	sshll.u32 s12, $0xD;
	s11 =	sshll.u32 s11, $0x4  }
0x45: {  	s11 =	sand.u32 $0x3F0, s11;
	s12 =	sadd.s32 s3, s12  }
0x46: {  	s11 =	sadd.s32 s11, s12  }
0x47: {  	[hbm4b:s11+s6] =	stream.strided.scatter [tilespmem:s14], [sflag:$0x2], $0x4000, s7, s6, $0x38;
	[tilespmem:$0x10000] =	vst v63  }
.LBB1_8:
0x48: {  	_ =	sfence.sel $0x180000  }
0x49: {  	s2 =	simm.s32 $0x1;
	[bflag:$0x0] =	sbarrier.arrive $0xFFFF  }
0x4a: {  	s31 =	simm.s32 $0x2;
	[sflag:s2] =	ssyncpa.u1 $0x1  }
0x4b: {  	[sflag:s31] =	ssyncpa.u1 $0x1  }
0x4c: {  	p0 =	sne.s32 s1, $0x0;
	_ =	strace $0x9000004D  }
0x4d: {  	s0 =	sadd.s32 @!p0 $0x100000, s0;
	[bflag:$0x2] =	sbarrier.arrive $0xFFFF  }
0x4e: {  	[sflag:s0] =	ssyncadd.tile.s32 @!p0 $0x1;
	_ =	shalt  }
.Lfunc_end1:
_tile_overlayer_lowered:
.L_overlay_start_2:
0x4f: {  	(tag) =	ssettag $0x2  }
0x50: {  	s0 =	rddreg [dreg:$0x0];
	s2 =	stileid.u32  }
0x51: {  	s1 =	rddreg [dreg:$0x1];
	p0 =	sne.s32 s2, $0x0  }
0x52: {  	s3 =	rddreg [dreg:$0x2];
	[bflag:$0x3] =	sbarrier.arrive $0xFFFF;
	s2 =	simm.s32 @!p0 $0x1C01  }
0x53: {  	[timem:s3], [sflag:s2] =	dma.local @!p0 [hbm:s0], s1  }
0x54: {  	s0 =	simm.s32 @!p0 $0x1  }
0x55: {  	_ =	swait.ge @!p0 [sflag:s0], s1  }
0x56: {  	s1 =	ssub.s32 @!p0 $0x0, s1;
	[sflag:s0] =	ssyncset.done @!p0 $0x0  }
0x57: {  	[sflag:s0] =	ssyncadd.s32 @!p0 s1  }
0x58: {  	[bflag:$0x3] =	sbarrier.arrive $0xFFFF  }
0x59: {  	_ =	shalt  }

</sc_bundles>
